<compile_context>
chip_gen: v7x
topology: tpu7x:2x2x1
jax: 0.10.2.dev20260603
libtpu: 0.0.44.dev20260713+nightly
codegen_flags: <defaults>
</compile_context>

<pallas_src>
import functools
import numpy as np
import jax
import jax.numpy as jnp
from jax import lax
from jax.experimental import pallas as pl
from jax.experimental.pallas import tpu as pltpu
from jax.experimental.pallas import tpu_sc as plsc

_NUM_CLASSES = 19
_CP = 24
_D = 256
_N = 1024
_BINS = 51
_BINS_VALS = np.linspace(-5.0, 5.0, _BINS).astype(np.float32)
_TWO_PI = 6.283185307179586
_LANES = 16
_WORKERS = 32
_PT = _N // _WORKERS


def _sc_body(featT_hbm, lbl_hbm, zrow_hbm, zcnt_hbm,
             part1_hbm, part2_hbm, partc_hbm,
             lbl_v, rows_v, acc1, acc2, accc, sem):
    cid = jnp.int32(lax.axis_index("c"))
    sid = jnp.int32(lax.axis_index("s"))
    wid = cid * (_WORKERS // 2) + sid

    base = wid * _PT
    pltpu.sync_copy(lbl_hbm.at[pl.ds(base, _PT)], lbl_v)
    pltpu.sync_copy(featT_hbm.at[pl.ds(base, _PT)], rows_v)
    pltpu.sync_copy(zrow_hbm, acc1)
    pltpu.sync_copy(zrow_hbm, acc2)
    pltpu.sync_copy(zcnt_hbm, accc)

    lane = lax.broadcasted_iota(jnp.int32, (_LANES,), 0)
    onev = jnp.full((_LANES,), 1.0, jnp.float32)

    def _pix(i, carry):
        cls = plsc.load_gather(lbl_v, [jnp.full((_LANES,), i, jnp.int32)])
        plsc.addupdate_scatter(accc, [cls, lane], onev)
        for j in range(_D // _LANES):
            x = rows_v[i, pl.ds(j * _LANES, _LANES)]
            col = lane + jnp.int32(j * _LANES)
            plsc.addupdate_scatter(acc1, [cls, col], x)
            plsc.addupdate_scatter(acc2, [cls, col], x * x)
        return carry

    lax.fori_loop(jnp.int32(0), jnp.int32(_PT), _pix, jnp.int32(0))

    pltpu.sync_copy(acc1, part1_hbm.at[pl.ds(wid * _CP, _CP)])
    pltpu.sync_copy(acc2, part2_hbm.at[pl.ds(wid * _CP, _CP)])
    pltpu.sync_copy(accc, partc_hbm.at[pl.ds(wid * _CP, _CP)])


_sc_kernel = functools.partial(
    pl.kernel,
    mesh=plsc.VectorSubcoreMesh(core_axis_name="c", subcore_axis_name="s"),
    compiler_params=pltpu.CompilerParams(needs_layout_passes=False),
    out_type=[
        jax.ShapeDtypeStruct((_WORKERS * _CP, _D), jnp.float32),
        jax.ShapeDtypeStruct((_WORKERS * _CP, _D), jnp.float32),
        jax.ShapeDtypeStruct((_WORKERS * _CP, _LANES), jnp.float32),
    ],
    scratch_types=[
        pltpu.VMEM((_PT,), jnp.int32),
        pltpu.VMEM((_PT, _D), jnp.float32),
        pltpu.VMEM((_CP, _D), jnp.float32),
        pltpu.VMEM((_CP, _D), jnp.float32),
        pltpu.VMEM((_CP, _LANES), jnp.float32),
        pltpu.SemaphoreType.DMA,
    ],
)(_sc_body)


def _dot(a, b, precision):
    return lax.dot_general(
        a, b, (((1,), (0,)), ((), ())),
        precision=precision, preferred_element_type=jnp.float32)


def _tc_body(featT_ref, lblrow_ref, lblcol_ref, bins_ref,
             part1_ref, part2_ref, partc_ref, out_ref,
             sample_scr, target_scr):
    featT = featT_ref[...]
    lbl_row = lblrow_ref[...]
    lbl_col = lblcol_ref[...]

    s1 = jnp.sum(part1_ref[...], axis=0)[:_NUM_CLASSES]
    s2 = jnp.sum(part2_ref[...], axis=0)[:_NUM_CLASSES]
    cnt = jnp.sum(partc_ref[...], axis=0)[:_NUM_CLASSES, :1]

    onehot = (lax.broadcasted_iota(jnp.int32, (_NUM_CLASSES, _N), 0)
              == lbl_row).astype(jnp.float32)
    onehotT = (lax.broadcasted_iota(jnp.int32, (_N, _NUM_CLASSES), 1)
               == lbl_col).astype(jnp.float32)

    inv_n = 1.0 / jnp.maximum(cnt, 1.0)
    miu = s1 * inv_n
    var = jnp.maximum(s2 * inv_n - miu * miu, 1e-12)
    vs = var * (1.0 / 25.0)
    coef_s = -0.5 / vs
    nrm_s = lax.rsqrt(_TWO_PI * vs)
    coef_t = -0.5 / var
    nrm_t = lax.rsqrt(_TWO_PI * var)

    hi = lax.Precision.HIGHEST
    coef_pix = _dot(onehotT, coef_s, hi)
    nrm_pix = _dot(onehotT, nrm_s, hi)

    onehot_bf = onehot.astype(jnp.bfloat16)

    def bin_group(g, carry):
        for u in range(3):
            b = g * jnp.int32(3) + jnp.int32(u)
            bv = bins_ref[b]
            d = bv - featT
            kern = jnp.exp(d * d * coef_pix) * nrm_pix
            sam = _dot(onehot_bf, kern.astype(jnp.bfloat16),
                       lax.Precision.DEFAULT)
            sample_scr[pl.ds(b, 1)] = sam[None]
            dt = bv - miu
            tgt = jnp.exp(dt * dt * coef_t) * nrm_t
            target_scr[pl.ds(b, 1)] = tgt[None]
        return carry

    lax.fori_loop(jnp.int32(0), jnp.int32(_BINS // 3), bin_group, 0)

    sample = sample_scr[...]
    target = target_scr[...]
    inv_zs = 1.0 / jnp.maximum(jnp.sum(sample, axis=0), 1e-20)
    inv_zt = 1.0 / jnp.maximum(jnp.sum(target, axis=0), 1e-20)
    dd = sample * inv_zs[None] - target * inv_zt[None]
    sl1 = jnp.where(jnp.abs(dd) < 1.0, 0.5 * dd * dd, jnp.abs(dd) - 0.5)
    per_c = jnp.sum(jnp.sum(sl1, axis=0), axis=1, keepdims=True)
    cls = lax.broadcasted_iota(jnp.int32, (_NUM_CLASSES, 1), 0)
    gated = jnp.where((cnt > 0.0) & (cls > 0), per_c, 0.0)
    out_ref[0, 0] = jnp.sum(gated) * (1.0 / (_D * _BINS))


def kernel(feature, label):
    B, D, H, W = feature.shape
    sh = label.shape[2] // H
    sw = label.shape[3] // W
    lbl = label[0, 0, ::sh, ::sw].reshape(-1).astype(jnp.int32)
    featT = feature[0].reshape(D, -1).T
    n = featT.shape[0]

    zrow = jnp.zeros((_CP, _D), jnp.float32)
    zcnt = jnp.zeros((_CP, _LANES), jnp.float32)
    part1, part2, partc = _sc_kernel(featT, lbl, zrow, zcnt)

    out = pl.pallas_call(
        _tc_body,
        out_shape=jax.ShapeDtypeStruct((1, 1), jnp.float32),
        out_specs=pl.BlockSpec(memory_space=pltpu.MemorySpace.SMEM),
        in_specs=[
            pl.BlockSpec(memory_space=pltpu.MemorySpace.VMEM),
            pl.BlockSpec(memory_space=pltpu.MemorySpace.VMEM),
            pl.BlockSpec(memory_space=pltpu.MemorySpace.VMEM),
            pl.BlockSpec(memory_space=pltpu.MemorySpace.SMEM),
            pl.BlockSpec(memory_space=pltpu.MemorySpace.VMEM),
            pl.BlockSpec(memory_space=pltpu.MemorySpace.VMEM),
            pl.BlockSpec(memory_space=pltpu.MemorySpace.VMEM),
        ],
        scratch_shapes=[
            pltpu.VMEM((_BINS, _NUM_CLASSES, _D), jnp.float32),
            pltpu.VMEM((_BINS, _NUM_CLASSES, _D), jnp.float32),
        ],
    )(featT, lbl.reshape(1, n), lbl.reshape(n, 1), jnp.asarray(_BINS_VALS),
      part1.reshape(_WORKERS, _CP, _D), part2.reshape(_WORKERS, _CP, _D),
      partc.reshape(_WORKERS, _CP, _LANES))
    return out[0, 0]

# --- scband reference (transcript-rebuilt; emitter-appended) ---
"""Pipeline reference for scband-histogram-loss-29145648071226 (READ-ONLY COPY).

The authoritative reference and input builder live on the scoring server;
editing this copy changes nothing except your own understanding.
"""

import jax, jax.numpy as jnp
import numpy as np

jax.config.update("jax_enable_x64", True)

NUM_CLASSES = 19
FEATURES_NUM = 256
BINS_NUM = 51
LOSS_WEIGHT = 1.0
BINS_VALS = np.linspace(-5.0, 5.0, BINS_NUM).astype(np.float32)


def setup_inputs(seed: int = 0):
    key = jax.random.key(seed)
    k1, k2 = jax.random.split(key)
    feature = jax.random.normal(k1, (1, FEATURES_NUM, 32, 32), dtype=jnp.float32)
    label = jax.random.randint(k2, (1, 1, 256, 256), 0, NUM_CLASSES, dtype=jnp.int64)
    return {"feature": feature, "label": label}


def _class_loss(feat, bins, mask):
    # feat: [D, N] (differentiable), mask: [N] in {0,1} for this class
    n = mask.sum()
    nsafe = jnp.maximum(n, 1.0)
    # per-class first/second moments are computed detached in the torch code
    fstat = jax.lax.stop_gradient(feat)
    miu = (fstat * mask[None, :]).sum(axis=1) / nsafe
    moment2 = ((fstat ** 2) * mask[None, :]).sum(axis=1) / nsafe
    var = jnp.maximum(moment2 - miu ** 2, 1e-12)
    var_sample = var / 25.0
    # target histogram: per-feature gaussian pdf evaluated at bin centers (no_grad in torch)
    target = jnp.exp(-0.5 * (bins[None, :] - miu[:, None]) ** 2 / var[:, None]) / jnp.sqrt(2.0 * jnp.pi * var[:, None])
    # sample histogram: gaussian KDE of the class's feature values at each bin
    diff = bins[None, :, None] - feat[:, None, :]  # [D, BINS, N]
    kern = jnp.exp(-0.5 * diff ** 2 / var_sample[:, None, None]) / jnp.sqrt(2.0 * jnp.pi * var_sample)[:, None, None]
    sample = (kern * mask[None, None, :]).sum(axis=2)  # [D, BINS]
    hist = sample / jnp.maximum(sample.sum(axis=1, keepdims=True), 1e-20)
    targ = target / jnp.maximum(target.sum(axis=1, keepdims=True), 1e-20)
    # F.smooth_l1_loss (beta=1, mean reduction). First call: hist_values_filtered == hist
    d = hist - targ
    l = jnp.where(jnp.abs(d) < 1.0, 0.5 * d * d, jnp.abs(d) - 0.5).mean()
    return jnp.where(n > 0, l, 0.0)


def reference(feature, label):
    B, D, H, W = feature.shape
    lh, lw = label.shape[2], label.shape[3]
    # torch F.interpolate default mode='nearest' downscale of the label map
    ih = (jnp.arange(H) * lh) // H
    iw = (jnp.arange(W) * lw) // W
    lbl = label[0, 0][ih][:, iw].reshape(-1)  # [N]
    feat = feature[0].reshape(D, -1)          # [D, N]
    bins = jnp.asarray(BINS_VALS)
    loss = jnp.float32(0.0)
    # class 0 updates running stats only (detached state); loss accumulates for c > 0
    for c in range(1, NUM_CLASSES):
        mask = (lbl == c).astype(jnp.float32)
        loss = loss + _class_loss(feat, bins, mask)
    return loss * LOSS_WEIGHT

if __name__ == "__main__":
    import jax
    _d = setup_inputs()
    print(jax.jit(kernel)(*tuple(_d.values())))

</pallas_src>

<mosaic_0001>
#map = affine_map<(d0, d1) -> (0, 0)>
#map1 = affine_map<(d0, d1) -> (0)>
module attributes {stable_mosaic.version = 14 : i64} {
  func.func @_sc_body(%arg0: i32, %arg1: i32, %arg2: memref<1024x256xf32, #tpu.memory_space<hbm>>, %arg3: memref<1024xi32, #tpu.memory_space<hbm>>, %arg4: memref<24x256xf32, #tpu.memory_space<hbm>>, %arg5: memref<24x16xf32, #tpu.memory_space<hbm>>, %arg6: memref<768x256xf32, #tpu.memory_space<hbm>>, %arg7: memref<768x256xf32, #tpu.memory_space<hbm>>, %arg8: memref<768x16xf32, #tpu.memory_space<hbm>>, %arg9: memref<32xi32, #tpu.memory_space<vmem>>, %arg10: memref<32x256xf32, #tpu.memory_space<vmem>>, %arg11: memref<24x256xf32, #tpu.memory_space<vmem>>, %arg12: memref<24x256xf32, #tpu.memory_space<vmem>>, %arg13: memref<24x16xf32, #tpu.memory_space<vmem>>, %arg14: memref<!tpu.dma_semaphore, #tpu.memory_space<semaphore_mem>>) attributes {dimension_semantics = [#tpu.dimension_semantics<core_parallel>, #tpu.dimension_semantics<subcore_parallel>], iteration_bounds = array<i64: 2, 16>, scalar_prefetch = 0 : i64, scratch_operands = 6 : i64, tpu.core_type = #tpu.core_type<sc_vector_subcore>, window_params = [{transform_indices = #map}, {transform_indices = #map1}, {transform_indices = #map}, {transform_indices = #map}, {transform_indices = #map}, {transform_indices = #map}, {transform_indices = #map}]} {
    %mul3A = arith.constant 16 : i32
    %mul3A_0 = arith.muli %arg0, %mul3A : i32
    %add3A = arith.addi %mul3A_0, %arg1 : i32
    %mul3A_1 = arith.constant 32 : i32
    %mul3A_2 = arith.muli %add3A, %mul3A_1 : i32
    "tpu.region"() ({
      %run_scoped3A = tpu.sem_alloc : memref<!tpu.dma_semaphore, #tpu.memory_space<semaphore_mem>>
      %dma_start3A = tpu.memref_slice %arg3[%mul3A_2] : memref<1024xi32, #tpu.memory_space<hbm>> -> memref<32xi32, #tpu.memory_space<hbm>>
      %dma_start3A_20 = tpu.memref_slice %arg3[%mul3A_2] : memref<1024xi32, #tpu.memory_space<hbm>> -> memref<32xi32, #tpu.memory_space<hbm>>
      tpu.enqueue_dma source(%dma_start3A_20 : memref<32xi32, #tpu.memory_space<hbm>>) target(%arg9 : memref<32xi32, #tpu.memory_space<vmem>>) target_semaphore(%run_scoped3A : memref<!tpu.dma_semaphore, #tpu.memory_space<semaphore_mem>>)
      %dma_wait3A = tpu.memref_slice %arg3[%mul3A_2] : memref<1024xi32, #tpu.memory_space<hbm>> -> memref<32xi32, #tpu.memory_space<hbm>>
      %dma_wait3A_21 = tpu.memref_slice %arg3[%mul3A_2] : memref<1024xi32, #tpu.memory_space<hbm>> -> memref<32xi32, #tpu.memory_space<hbm>>
      tpu.wait_dma2 semaphore(%run_scoped3A : memref<!tpu.dma_semaphore, #tpu.memory_space<semaphore_mem>>) src(%dma_wait3A_21 : memref<32xi32, #tpu.memory_space<hbm>>) dst(%arg9 : memref<32xi32, #tpu.memory_space<vmem>>)
      tpu.yield
    }) : () -> ()
    "tpu.region"() ({
      %run_scoped3A = tpu.sem_alloc : memref<!tpu.dma_semaphore, #tpu.memory_space<semaphore_mem>>
      %dma_start3A = arith.constant 0 : i32
      %dma_start3A_20 = tpu.memref_slice %arg2[%mul3A_2, %dma_start3A] : memref<1024x256xf32, #tpu.memory_space<hbm>> -> memref<32x256xf32, #tpu.memory_space<hbm>>
      %dma_start3A_21 = arith.constant 0 : i32
      %dma_start3A_22 = tpu.memref_slice %arg2[%mul3A_2, %dma_start3A_21] : memref<1024x256xf32, #tpu.memory_space<hbm>> -> memref<32x256xf32, #tpu.memory_space<hbm>>
      tpu.enqueue_dma source(%dma_start3A_22 : memref<32x256xf32, #tpu.memory_space<hbm>>) target(%arg10 : memref<32x256xf32, #tpu.memory_space<vmem>>) target_semaphore(%run_scoped3A : memref<!tpu.dma_semaphore, #tpu.memory_space<semaphore_mem>>)
      %dma_wait3A = arith.constant 0 : i32
      %dma_wait3A_23 = tpu.memref_slice %arg2[%mul3A_2, %dma_wait3A] : memref<1024x256xf32, #tpu.memory_space<hbm>> -> memref<32x256xf32, #tpu.memory_space<hbm>>
      %dma_wait3A_24 = arith.constant 0 : i32
      %dma_wait3A_25 = tpu.memref_slice %arg2[%mul3A_2, %dma_wait3A_24] : memref<1024x256xf32, #tpu.memory_space<hbm>> -> memref<32x256xf32, #tpu.memory_space<hbm>>
      tpu.wait_dma2 semaphore(%run_scoped3A : memref<!tpu.dma_semaphore, #tpu.memory_space<semaphore_mem>>) src(%dma_wait3A_25 : memref<32x256xf32, #tpu.memory_space<hbm>>) dst(%arg10 : memref<32x256xf32, #tpu.memory_space<vmem>>)
      tpu.yield
    }) : () -> ()
    "tpu.region"() ({
      %run_scoped3A = tpu.sem_alloc : memref<!tpu.dma_semaphore, #tpu.memory_space<semaphore_mem>>
      tpu.enqueue_dma source(%arg4 : memref<24x256xf32, #tpu.memory_space<hbm>>) target(%arg11 : memref<24x256xf32, #tpu.memory_space<vmem>>) target_semaphore(%run_scoped3A : memref<!tpu.dma_semaphore, #tpu.memory_space<semaphore_mem>>)
      tpu.wait_dma2 semaphore(%run_scoped3A : memref<!tpu.dma_semaphore, #tpu.memory_space<semaphore_mem>>) src(%arg4 : memref<24x256xf32, #tpu.memory_space<hbm>>) dst(%arg11 : memref<24x256xf32, #tpu.memory_space<vmem>>)
      tpu.yield
    }) : () -> ()
    "tpu.region"() ({
      %run_scoped3A = tpu.sem_alloc : memref<!tpu.dma_semaphore, #tpu.memory_space<semaphore_mem>>
      tpu.enqueue_dma source(%arg4 : memref<24x256xf32, #tpu.memory_space<hbm>>) target(%arg12 : memref<24x256xf32, #tpu.memory_space<vmem>>) target_semaphore(%run_scoped3A : memref<!tpu.dma_semaphore, #tpu.memory_space<semaphore_mem>>)
      tpu.wait_dma2 semaphore(%run_scoped3A : memref<!tpu.dma_semaphore, #tpu.memory_space<semaphore_mem>>) src(%arg4 : memref<24x256xf32, #tpu.memory_space<hbm>>) dst(%arg12 : memref<24x256xf32, #tpu.memory_space<vmem>>)
      tpu.yield
    }) : () -> ()
    "tpu.region"() ({
      %run_scoped3A = tpu.sem_alloc : memref<!tpu.dma_semaphore, #tpu.memory_space<semaphore_mem>>
      tpu.enqueue_dma source(%arg5 : memref<24x16xf32, #tpu.memory_space<hbm>>) target(%arg13 : memref<24x16xf32, #tpu.memory_space<vmem>>) target_semaphore(%run_scoped3A : memref<!tpu.dma_semaphore, #tpu.memory_space<semaphore_mem>>)
      tpu.wait_dma2 semaphore(%run_scoped3A : memref<!tpu.dma_semaphore, #tpu.memory_space<semaphore_mem>>) src(%arg5 : memref<24x16xf32, #tpu.memory_space<hbm>>) dst(%arg13 : memref<24x16xf32, #tpu.memory_space<vmem>>)
      tpu.yield
    }) : () -> ()
    %iota3A = tpu.iota {dimensions = array<i32: 0>} : vector<16xi32>
    %broadcast_in_dim3A = arith.constant 1.000000e+00 : f32
    %broadcast_in_dim3A_3 = vector.broadcast %broadcast_in_dim3A : f32 to vector<16xf32>
    %while3A = arith.constant 0 : i32
    %while3A_4 = arith.constant 0 : i32
    %while3A_5 = arith.constant 32 : i32
    %while3A_6 = arith.subi %while3A_5, %while3A_4 : i32
    %while3A_7 = arith.addi %while3A_4, %while3A_6 : i32
    %while3A_8 = arith.constant 1 : i32
    %while3A_9 = arith.divsi %while3A_6, %while3A_8 : i32
    %while3A_10 = arith.muli %while3A_9, %while3A_8 : i32
    %while3A_11 = arith.addi %while3A_4, %while3A_10 : i32
    %while3A_12 = arith.constant 1 : i32
    scf.for %while3A_20 = %while3A_4 to %while3A_11 step %while3A_12  : i32 {
      %broadcast_in_dim3A_21 = vector.broadcast %while3A_20 : i32 to vector<16xi32>
      %gather3A = tpu.vector_load_idx %arg9[%broadcast_in_dim3A_21] : memref<32xi32, #tpu.memory_space<vmem>>[vector<16xi32>], vector<16xi32>,
      tpu.vector_store_idx %arg13[%gather3A, %iota3A], %broadcast_in_dim3A_3 {add = true} : memref<24x16xf32, #tpu.memory_space<vmem>>[vector<16xi32>, vector<16xi32>], vector<16xf32>,
      %get3A = arith.index_cast %while3A_20 : i32 to index
      %get3A_22 = arith.constant 0 : index
      %get3A_23 = tpu.vector_load %arg10[%get3A, %get3A_22] {strides = array<i32>} : memref<32x256xf32, #tpu.memory_space<vmem>>, vector<16xf32>,
      %add3A_24 = arith.constant 0 : i32
      %add3A_25 = vector.broadcast %add3A_24 : i32 to vector<16xi32>
      %add3A_26 = arith.addi %iota3A, %add3A_25 : vector<16xi32>
      tpu.vector_store_idx %arg11[%gather3A, %add3A_26], %get3A_23 {add = true} : memref<24x256xf32, #tpu.memory_space<vmem>>[vector<16xi32>, vector<16xi32>], vector<16xf32>,
      %mul3A_27 = arith.mulf %get3A_23, %get3A_23 : vector<16xf32>
      tpu.vector_store_idx %arg12[%gather3A, %add3A_26], %mul3A_27 {add = true} : memref<24x256xf32, #tpu.memory_space<vmem>>[vector<16xi32>, vector<16xi32>], vector<16xf32>,
      %get3A_28 = arith.index_cast %while3A_20 : i32 to index
      %get3A_29 = arith.constant 16 : index
      %get3A_30 = tpu.vector_load %arg10[%get3A_28, %get3A_29] {strides = array<i32>} : memref<32x256xf32, #tpu.memory_space<vmem>>, vector<16xf32>,
      %add3A_31 = arith.constant 16 : i32
      %add3A_32 = vector.broadcast %add3A_31 : i32 to vector<16xi32>
      %add3A_33 = arith.addi %iota3A, %add3A_32 : vector<16xi32>
      tpu.vector_store_idx %arg11[%gather3A, %add3A_33], %get3A_30 {add = true} : memref<24x256xf32, #tpu.memory_space<vmem>>[vector<16xi32>, vector<16xi32>], vector<16xf32>,
      %mul3A_34 = arith.mulf %get3A_30, %get3A_30 : vector<16xf32>
      tpu.vector_store_idx %arg12[%gather3A, %add3A_33], %mul3A_34 {add = true} : memref<24x256xf32, #tpu.memory_space<vmem>>[vector<16xi32>, vector<16xi32>], vector<16xf32>,
      %get3A_35 = arith.index_cast %while3A_20 : i32 to index
      %get3A_36 = arith.constant 32 : index
      %get3A_37 = tpu.vector_load %arg10[%get3A_35, %get3A_36] {strides = array<i32>} : memref<32x256xf32, #tpu.memory_space<vmem>>, vector<16xf32>,
      %add3A_38 = arith.constant 32 : i32
      %add3A_39 = vector.broadcast %add3A_38 : i32 to vector<16xi32>
      %add3A_40 = arith.addi %iota3A, %add3A_39 : vector<16xi32>
      tpu.vector_store_idx %arg11[%gather3A, %add3A_40], %get3A_37 {add = true} : memref<24x256xf32, #tpu.memory_space<vmem>>[vector<16xi32>, vector<16xi32>], vector<16xf32>,
      %mul3A_41 = arith.mulf %get3A_37, %get3A_37 : vector<16xf32>
      tpu.vector_store_idx %arg12[%gather3A, %add3A_40], %mul3A_41 {add = true} : memref<24x256xf32, #tpu.memory_space<vmem>>[vector<16xi32>, vector<16xi32>], vector<16xf32>,
      %get3A_42 = arith.index_cast %while3A_20 : i32 to index
      %get3A_43 = arith.constant 48 : index
      %get3A_44 = tpu.vector_load %arg10[%get3A_42, %get3A_43] {strides = array<i32>} : memref<32x256xf32, #tpu.memory_space<vmem>>, vector<16xf32>,
      %add3A_45 = arith.constant 48 : i32
      %add3A_46 = vector.broadcast %add3A_45 : i32 to vector<16xi32>
      %add3A_47 = arith.addi %iota3A, %add3A_46 : vector<16xi32>
      tpu.vector_store_idx %arg11[%gather3A, %add3A_47], %get3A_44 {add = true} : memref<24x256xf32, #tpu.memory_space<vmem>>[vector<16xi32>, vector<16xi32>], vector<16xf32>,
      %mul3A_48 = arith.mulf %get3A_44, %get3A_44 : vector<16xf32>
      tpu.vector_store_idx %arg12[%gather3A, %add3A_47], %mul3A_48 {add = true} : memref<24x256xf32, #tpu.memory_space<vmem>>[vector<16xi32>, vector<16xi32>], vector<16xf32>,
      %get3A_49 = arith.index_cast %while3A_20 : i32 to index
      %get3A_50 = arith.constant 64 : index
      %get3A_51 = tpu.vector_load %arg10[%get3A_49, %get3A_50] {strides = array<i32>} : memref<32x256xf32, #tpu.memory_space<vmem>>, vector<16xf32>,
      %add3A_52 = arith.constant 64 : i32
      %add3A_53 = vector.broadcast %add3A_52 : i32 to vector<16xi32>
      %add3A_54 = arith.addi %iota3A, %add3A_53 : vector<16xi32>
      tpu.vector_store_idx %arg11[%gather3A, %add3A_54], %get3A_51 {add = true} : memref<24x256xf32, #tpu.memory_space<vmem>>[vector<16xi32>, vector<16xi32>], vector<16xf32>,
      %mul3A_55 = arith.mulf %get3A_51, %get3A_51 : vector<16xf32>
      tpu.vector_store_idx %arg12[%gather3A, %add3A_54], %mul3A_55 {add = true} : memref<24x256xf32, #tpu.memory_space<vmem>>[vector<16xi32>, vector<16xi32>], vector<16xf32>,
      %get3A_56 = arith.index_cast %while3A_20 : i32 to index
      %get3A_57 = arith.constant 80 : index
      %get3A_58 = tpu.vector_load %arg10[%get3A_56, %get3A_57] {strides = array<i32>} : memref<32x256xf32, #tpu.memory_space<vmem>>, vector<16xf32>,
      %add3A_59 = arith.constant 80 : i32
      %add3A_60 = vector.broadcast %add3A_59 : i32 to vector<16xi32>
      %add3A_61 = arith.addi %iota3A, %add3A_60 : vector<16xi32>
      tpu.vector_store_idx %arg11[%gather3A, %add3A_61], %get3A_58 {add = true} : memref<24x256xf32, #tpu.memory_space<vmem>>[vector<16xi32>, vector<16xi32>], vector<16xf32>,
      %mul3A_62 = arith.mulf %get3A_58, %get3A_58 : vector<16xf32>
      tpu.vector_store_idx %arg12[%gather3A, %add3A_61], %mul3A_62 {add = true} : memref<24x256xf32, #tpu.memory_space<vmem>>[vector<16xi32>, vector<16xi32>], vector<16xf32>,
      %get3A_63 = arith.index_cast %while3A_20 : i32 to index
      %get3A_64 = arith.constant 96 : index
      %get3A_65 = tpu.vector_load %arg10[%get3A_63, %get3A_64] {strides = array<i32>} : memref<32x256xf32, #tpu.memory_space<vmem>>, vector<16xf32>,
      %add3A_66 = arith.constant 96 : i32
      %add3A_67 = vector.broadcast %add3A_66 : i32 to vector<16xi32>
      %add3A_68 = arith.addi %iota3A, %add3A_67 : vector<16xi32>
      tpu.vector_store_idx %arg11[%gather3A, %add3A_68], %get3A_65 {add = true} : memref<24x256xf32, #tpu.memory_space<vmem>>[vector<16xi32>, vector<16xi32>], vector<16xf32>,
      %mul3A_69 = arith.mulf %get3A_65, %get3A_65 : vector<16xf32>
      tpu.vector_store_idx %arg12[%gather3A, %add3A_68], %mul3A_69 {add = true} : memref<24x256xf32, #tpu.memory_space<vmem>>[vector<16xi32>, vector<16xi32>], vector<16xf32>,
      %get3A_70 = arith.index_cast %while3A_20 : i32 to index
      %get3A_71 = arith.constant 112 : index
      %get3A_72 = tpu.vector_load %arg10[%get3A_70, %get3A_71] {strides = array<i32>} : memref<32x256xf32, #tpu.memory_space<vmem>>, vector<16xf32>,
      %add3A_73 = arith.constant 112 : i32
      %add3A_74 = vector.broadcast %add3A_73 : i32 to vector<16xi32>
      %add3A_75 = arith.addi %iota3A, %add3A_74 : vector<16xi32>
      tpu.vector_store_idx %arg11[%gather3A, %add3A_75], %get3A_72 {add = true} : memref<24x256xf32, #tpu.memory_space<vmem>>[vector<16xi32>, vector<16xi32>], vector<16xf32>,
      %mul3A_76 = arith.mulf %get3A_72, %get3A_72 : vector<16xf32>
      tpu.vector_store_idx %arg12[%gather3A, %add3A_75], %mul3A_76 {add = true} : memref<24x256xf32, #tpu.memory_space<vmem>>[vector<16xi32>, vector<16xi32>], vector<16xf32>,
      %get3A_77 = arith.index_cast %while3A_20 : i32 to index
      %get3A_78 = arith.constant 128 : index
      %get3A_79 = tpu.vector_load %arg10[%get3A_77, %get3A_78] {strides = array<i32>} : memref<32x256xf32, #tpu.memory_space<vmem>>, vector<16xf32>,
      %add3A_80 = arith.constant 128 : i32
      %add3A_81 = vector.broadcast %add3A_80 : i32 to vector<16xi32>
      %add3A_82 = arith.addi %iota3A, %add3A_81 : vector<16xi32>
      tpu.vector_store_idx %arg11[%gather3A, %add3A_82], %get3A_79 {add = true} : memref<24x256xf32, #tpu.memory_space<vmem>>[vector<16xi32>, vector<16xi32>], vector<16xf32>,
      %mul3A_83 = arith.mulf %get3A_79, %get3A_79 : vector<16xf32>
      tpu.vector_store_idx %arg12[%gather3A, %add3A_82], %mul3A_83 {add = true} : memref<24x256xf32, #tpu.memory_space<vmem>>[vector<16xi32>, vector<16xi32>], vector<16xf32>,
      %get3A_84 = arith.index_cast %while3A_20 : i32 to index
      %get3A_85 = arith.constant 144 : index
      %get3A_86 = tpu.vector_load %arg10[%get3A_84, %get3A_85] {strides = array<i32>} : memref<32x256xf32, #tpu.memory_space<vmem>>, vector<16xf32>,
      %add3A_87 = arith.constant 144 : i32
      %add3A_88 = vector.broadcast %add3A_87 : i32 to vector<16xi32>
      %add3A_89 = arith.addi %iota3A, %add3A_88 : vector<16xi32>
      tpu.vector_store_idx %arg11[%gather3A, %add3A_89], %get3A_86 {add = true} : memref<24x256xf32, #tpu.memory_space<vmem>>[vector<16xi32>, vector<16xi32>], vector<16xf32>,
      %mul3A_90 = arith.mulf %get3A_86, %get3A_86 : vector<16xf32>
      tpu.vector_store_idx %arg12[%gather3A, %add3A_89], %mul3A_90 {add = true} : memref<24x256xf32, #tpu.memory_space<vmem>>[vector<16xi32>, vector<16xi32>], vector<16xf32>,
      %get3A_91 = arith.index_cast %while3A_20 : i32 to index
      %get3A_92 = arith.constant 160 : index
      %get3A_93 = tpu.vector_load %arg10[%get3A_91, %get3A_92] {strides = array<i32>} : memref<32x256xf32, #tpu.memory_space<vmem>>, vector<16xf32>,
      %add3A_94 = arith.constant 160 : i32
      %add3A_95 = vector.broadcast %add3A_94 : i32 to vector<16xi32>
      %add3A_96 = arith.addi %iota3A, %add3A_95 : vector<16xi32>
      tpu.vector_store_idx %arg11[%gather3A, %add3A_96], %get3A_93 {add = true} : memref<24x256xf32, #tpu.memory_space<vmem>>[vector<16xi32>, vector<16xi32>], vector<16xf32>,
      %mul3A_97 = arith.mulf %get3A_93, %get3A_93 : vector<16xf32>
      tpu.vector_store_idx %arg12[%gather3A, %add3A_96], %mul3A_97 {add = true} : memref<24x256xf32, #tpu.memory_space<vmem>>[vector<16xi32>, vector<16xi32>], vector<16xf32>,
      %get3A_98 = arith.index_cast %while3A_20 : i32 to index
      %get3A_99 = arith.constant 176 : index
      %get3A_100 = tpu.vector_load %arg10[%get3A_98, %get3A_99] {strides = array<i32>} : memref<32x256xf32, #tpu.memory_space<vmem>>, vector<16xf32>,
      %add3A_101 = arith.constant 176 : i32
      %add3A_102 = vector.broadcast %add3A_101 : i32 to vector<16xi32>
      %add3A_103 = arith.addi %iota3A, %add3A_102 : vector<16xi32>
      tpu.vector_store_idx %arg11[%gather3A, %add3A_103], %get3A_100 {add = true} : memref<24x256xf32, #tpu.memory_space<vmem>>[vector<16xi32>, vector<16xi32>], vector<16xf32>,
      %mul3A_104 = arith.mulf %get3A_100, %get3A_100 : vector<16xf32>
      tpu.vector_store_idx %arg12[%gather3A, %add3A_103], %mul3A_104 {add = true} : memref<24x256xf32, #tpu.memory_space<vmem>>[vector<16xi32>, vector<16xi32>], vector<16xf32>,
      %get3A_105 = arith.index_cast %while3A_20 : i32 to index
      %get3A_106 = arith.constant 192 : index
      %get3A_107 = tpu.vector_load %arg10[%get3A_105, %get3A_106] {strides = array<i32>} : memref<32x256xf32, #tpu.memory_space<vmem>>, vector<16xf32>,
      %add3A_108 = arith.constant 192 : i32
      %add3A_109 = vector.broadcast %add3A_108 : i32 to vector<16xi32>
      %add3A_110 = arith.addi %iota3A, %add3A_109 : vector<16xi32>
      tpu.vector_store_idx %arg11[%gather3A, %add3A_110], %get3A_107 {add = true} : memref<24x256xf32, #tpu.memory_space<vmem>>[vector<16xi32>, vector<16xi32>], vector<16xf32>,
      %mul3A_111 = arith.mulf %get3A_107, %get3A_107 : vector<16xf32>
      tpu.vector_store_idx %arg12[%gather3A, %add3A_110], %mul3A_111 {add = true} : memref<24x256xf32, #tpu.memory_space<vmem>>[vector<16xi32>, vector<16xi32>], vector<16xf32>,
      %get3A_112 = arith.index_cast %while3A_20 : i32 to index
      %get3A_113 = arith.constant 208 : index
      %get3A_114 = tpu.vector_load %arg10[%get3A_112, %get3A_113] {strides = array<i32>} : memref<32x256xf32, #tpu.memory_space<vmem>>, vector<16xf32>,
      %add3A_115 = arith.constant 208 : i32
      %add3A_116 = vector.broadcast %add3A_115 : i32 to vector<16xi32>
      %add3A_117 = arith.addi %iota3A, %add3A_116 : vector<16xi32>
      tpu.vector_store_idx %arg11[%gather3A, %add3A_117], %get3A_114 {add = true} : memref<24x256xf32, #tpu.memory_space<vmem>>[vector<16xi32>, vector<16xi32>], vector<16xf32>,
      %mul3A_118 = arith.mulf %get3A_114, %get3A_114 : vector<16xf32>
      tpu.vector_store_idx %arg12[%gather3A, %add3A_117], %mul3A_118 {add = true} : memref<24x256xf32, #tpu.memory_space<vmem>>[vector<16xi32>, vector<16xi32>], vector<16xf32>,
      %get3A_119 = arith.index_cast %while3A_20 : i32 to index
      %get3A_120 = arith.constant 224 : index
      %get3A_121 = tpu.vector_load %arg10[%get3A_119, %get3A_120] {strides = array<i32>} : memref<32x256xf32, #tpu.memory_space<vmem>>, vector<16xf32>,
      %add3A_122 = arith.constant 224 : i32
      %add3A_123 = vector.broadcast %add3A_122 : i32 to vector<16xi32>
      %add3A_124 = arith.addi %iota3A, %add3A_123 : vector<16xi32>
      tpu.vector_store_idx %arg11[%gather3A, %add3A_124], %get3A_121 {add = true} : memref<24x256xf32, #tpu.memory_space<vmem>>[vector<16xi32>, vector<16xi32>], vector<16xf32>,
      %mul3A_125 = arith.mulf %get3A_121, %get3A_121 : vector<16xf32>
      tpu.vector_store_idx %arg12[%gather3A, %add3A_124], %mul3A_125 {add = true} : memref<24x256xf32, #tpu.memory_space<vmem>>[vector<16xi32>, vector<16xi32>], vector<16xf32>,
      %get3A_126 = arith.index_cast %while3A_20 : i32 to index
      %get3A_127 = arith.constant 240 : index
      %get3A_128 = tpu.vector_load %arg10[%get3A_126, %get3A_127] {strides = array<i32>} : memref<32x256xf32, #tpu.memory_space<vmem>>, vector<16xf32>,
      %add3A_129 = arith.constant 240 : i32
      %add3A_130 = vector.broadcast %add3A_129 : i32 to vector<16xi32>
      %add3A_131 = arith.addi %iota3A, %add3A_130 : vector<16xi32>
      tpu.vector_store_idx %arg11[%gather3A, %add3A_131], %get3A_128 {add = true} : memref<24x256xf32, #tpu.memory_space<vmem>>[vector<16xi32>, vector<16xi32>], vector<16xf32>,
      %mul3A_132 = arith.mulf %get3A_128, %get3A_128 : vector<16xf32>
      tpu.vector_store_idx %arg12[%gather3A, %add3A_131], %mul3A_132 {add = true} : memref<24x256xf32, #tpu.memory_space<vmem>>[vector<16xi32>, vector<16xi32>], vector<16xf32>,
    }
    %while3A_13 = arith.constant 1 : i32
    scf.for %while3A_20 = %while3A_11 to %while3A_7 step %while3A_13  : i32 {
      %broadcast_in_dim3A_21 = vector.broadcast %while3A_20 : i32 to vector<16xi32>
      %gather3A = tpu.vector_load_idx %arg9[%broadcast_in_dim3A_21] : memref<32xi32, #tpu.memory_space<vmem>>[vector<16xi32>], vector<16xi32>,
      tpu.vector_store_idx %arg13[%gather3A, %iota3A], %broadcast_in_dim3A_3 {add = true} : memref<24x16xf32, #tpu.memory_space<vmem>>[vector<16xi32>, vector<16xi32>], vector<16xf32>,
      %get3A = arith.index_cast %while3A_20 : i32 to index
      %get3A_22 = arith.constant 0 : index
      %get3A_23 = tpu.vector_load %arg10[%get3A, %get3A_22] {strides = array<i32>} : memref<32x256xf32, #tpu.memory_space<vmem>>, vector<16xf32>,
      %add3A_24 = arith.constant 0 : i32
      %add3A_25 = vector.broadcast %add3A_24 : i32 to vector<16xi32>
      %add3A_26 = arith.addi %iota3A, %add3A_25 : vector<16xi32>
      tpu.vector_store_idx %arg11[%gather3A, %add3A_26], %get3A_23 {add = true} : memref<24x256xf32, #tpu.memory_space<vmem>>[vector<16xi32>, vector<16xi32>], vector<16xf32>,
      %mul3A_27 = arith.mulf %get3A_23, %get3A_23 : vector<16xf32>
      tpu.vector_store_idx %arg12[%gather3A, %add3A_26], %mul3A_27 {add = true} : memref<24x256xf32, #tpu.memory_space<vmem>>[vector<16xi32>, vector<16xi32>], vector<16xf32>,
      %get3A_28 = arith.index_cast %while3A_20 : i32 to index
      %get3A_29 = arith.constant 16 : index
      %get3A_30 = tpu.vector_load %arg10[%get3A_28, %get3A_29] {strides = array<i32>} : memref<32x256xf32, #tpu.memory_space<vmem>>, vector<16xf32>,
      %add3A_31 = arith.constant 16 : i32
      %add3A_32 = vector.broadcast %add3A_31 : i32 to vector<16xi32>
      %add3A_33 = arith.addi %iota3A, %add3A_32 : vector<16xi32>
      tpu.vector_store_idx %arg11[%gather3A, %add3A_33], %get3A_30 {add = true} : memref<24x256xf32, #tpu.memory_space<vmem>>[vector<16xi32>, vector<16xi32>], vector<16xf32>,
      %mul3A_34 = arith.mulf %get3A_30, %get3A_30 : vector<16xf32>
      tpu.vector_store_idx %arg12[%gather3A, %add3A_33], %mul3A_34 {add = true} : memref<24x256xf32, #tpu.memory_space<vmem>>[vector<16xi32>, vector<16xi32>], vector<16xf32>,
      %get3A_35 = arith.index_cast %while3A_20 : i32 to index
      %get3A_36 = arith.constant 32 : index
      %get3A_37 = tpu.vector_load %arg10[%get3A_35, %get3A_36] {strides = array<i32>} : memref<32x256xf32, #tpu.memory_space<vmem>>, vector<16xf32>,
      %add3A_38 = arith.constant 32 : i32
      %add3A_39 = vector.broadcast %add3A_38 : i32 to vector<16xi32>
      %add3A_40 = arith.addi %iota3A, %add3A_39 : vector<16xi32>
      tpu.vector_store_idx %arg11[%gather3A, %add3A_40], %get3A_37 {add = true} : memref<24x256xf32, #tpu.memory_space<vmem>>[vector<16xi32>, vector<16xi32>], vector<16xf32>,
      %mul3A_41 = arith.mulf %get3A_37, %get3A_37 : vector<16xf32>
      tpu.vector_store_idx %arg12[%gather3A, %add3A_40], %mul3A_41 {add = true} : memref<24x256xf32, #tpu.memory_space<vmem>>[vector<16xi32>, vector<16xi32>], vector<16xf32>,
      %get3A_42 = arith.index_cast %while3A_20 : i32 to index
      %get3A_43 = arith.constant 48 : index
      %get3A_44 = tpu.vector_load %arg10[%get3A_42, %get3A_43] {strides = array<i32>} : memref<32x256xf32, #tpu.memory_space<vmem>>, vector<16xf32>,
      %add3A_45 = arith.constant 48 : i32
      %add3A_46 = vector.broadcast %add3A_45 : i32 to vector<16xi32>
      %add3A_47 = arith.addi %iota3A, %add3A_46 : vector<16xi32>
      tpu.vector_store_idx %arg11[%gather3A, %add3A_47], %get3A_44 {add = true} : memref<24x256xf32, #tpu.memory_space<vmem>>[vector<16xi32>, vector<16xi32>], vector<16xf32>,
      %mul3A_48 = arith.mulf %get3A_44, %get3A_44 : vector<16xf32>
      tpu.vector_store_idx %arg12[%gather3A, %add3A_47], %mul3A_48 {add = true} : memref<24x256xf32, #tpu.memory_space<vmem>>[vector<16xi32>, vector<16xi32>], vector<16xf32>,
      %get3A_49 = arith.index_cast %while3A_20 : i32 to index
      %get3A_50 = arith.constant 64 : index
      %get3A_51 = tpu.vector_load %arg10[%get3A_49, %get3A_50] {strides = array<i32>} : memref<32x256xf32, #tpu.memory_space<vmem>>, vector<16xf32>,
      %add3A_52 = arith.constant 64 : i32
      %add3A_53 = vector.broadcast %add3A_52 : i32 to vector<16xi32>
      %add3A_54 = arith.addi %iota3A, %add3A_53 : vector<16xi32>
      tpu.vector_store_idx %arg11[%gather3A, %add3A_54], %get3A_51 {add = true} : memref<24x256xf32, #tpu.memory_space<vmem>>[vector<16xi32>, vector<16xi32>], vector<16xf32>,
      %mul3A_55 = arith.mulf %get3A_51, %get3A_51 : vector<16xf32>
      tpu.vector_store_idx %arg12[%gather3A, %add3A_54], %mul3A_55 {add = true} : memref<24x256xf32, #tpu.memory_space<vmem>>[vector<16xi32>, vector<16xi32>], vector<16xf32>,
      %get3A_56 = arith.index_cast %while3A_20 : i32 to index
      %get3A_57 = arith.constant 80 : index
      %get3A_58 = tpu.vector_load %arg10[%get3A_56, %get3A_57] {strides = array<i32>} : memref<32x256xf32, #tpu.memory_space<vmem>>, vector<16xf32>,
      %add3A_59 = arith.constant 80 : i32
      %add3A_60 = vector.broadcast %add3A_59 : i32 to vector<16xi32>
      %add3A_61 = arith.addi %iota3A, %add3A_60 : vector<16xi32>
      tpu.vector_store_idx %arg11[%gather3A, %add3A_61], %get3A_58 {add = true} : memref<24x256xf32, #tpu.memory_space<vmem>>[vector<16xi32>, vector<16xi32>], vector<16xf32>,
      %mul3A_62 = arith.mulf %get3A_58, %get3A_58 : vector<16xf32>
      tpu.vector_store_idx %arg12[%gather3A, %add3A_61], %mul3A_62 {add = true} : memref<24x256xf32, #tpu.memory_space<vmem>>[vector<16xi32>, vector<16xi32>], vector<16xf32>,
      %get3A_63 = arith.index_cast %while3A_20 : i32 to index
      %get3A_64 = arith.constant 96 : index
      %get3A_65 = tpu.vector_load %arg10[%get3A_63, %get3A_64] {strides = array<i32>} : memref<32x256xf32, #tpu.memory_space<vmem>>, vector<16xf32>,
      %add3A_66 = arith.constant 96 : i32
      %add3A_67 = vector.broadcast %add3A_66 : i32 to vector<16xi32>
      %add3A_68 = arith.addi %iota3A, %add3A_67 : vector<16xi32>
      tpu.vector_store_idx %arg11[%gather3A, %add3A_68], %get3A_65 {add = true} : memref<24x256xf32, #tpu.memory_space<vmem>>[vector<16xi32>, vector<16xi32>], vector<16xf32>,
      %mul3A_69 = arith.mulf %get3A_65, %get3A_65 : vector<16xf32>
      tpu.vector_store_idx %arg12[%gather3A, %add3A_68], %mul3A_69 {add = true} : memref<24x256xf32, #tpu.memory_space<vmem>>[vector<16xi32>, vector<16xi32>], vector<16xf32>,
      %get3A_70 = arith.index_cast %while3A_20 : i32 to index
      %get3A_71 = arith.constant 112 : index
      %get3A_72 = tpu.vector_load %arg10[%get3A_70, %get3A_71] {strides = array<i32>} : memref<32x256xf32, #tpu.memory_space<vmem>>, vector<16xf32>,
      %add3A_73 = arith.constant 112 : i32
      %add3A_74 = vector.broadcast %add3A_73 : i32 to vector<16xi32>
      %add3A_75 = arith.addi %iota3A, %add3A_74 : vector<16xi32>
      tpu.vector_store_idx %arg11[%gather3A, %add3A_75], %get3A_72 {add = true} : memref<24x256xf32, #tpu.memory_space<vmem>>[vector<16xi32>, vector<16xi32>], vector<16xf32>,
      %mul3A_76 = arith.mulf %get3A_72, %get3A_72 : vector<16xf32>
      tpu.vector_store_idx %arg12[%gather3A, %add3A_75], %mul3A_76 {add = true} : memref<24x256xf32, #tpu.memory_space<vmem>>[vector<16xi32>, vector<16xi32>], vector<16xf32>,
      %get3A_77 = arith.index_cast %while3A_20 : i32 to index
      %get3A_78 = arith.constant 128 : index
      %get3A_79 = tpu.vector_load %arg10[%get3A_77, %get3A_78] {strides = array<i32>} : memref<32x256xf32, #tpu.memory_space<vmem>>, vector<16xf32>,
      %add3A_80 = arith.constant 128 : i32
      %add3A_81 = vector.broadcast %add3A_80 : i32 to vector<16xi32>
      %add3A_82 = arith.addi %iota3A, %add3A_81 : vector<16xi32>
      tpu.vector_store_idx %arg11[%gather3A, %add3A_82], %get3A_79 {add = true} : memref<24x256xf32, #tpu.memory_space<vmem>>[vector<16xi32>, vector<16xi32>], vector<16xf32>,
      %mul3A_83 = arith.mulf %get3A_79, %get3A_79 : vector<16xf32>
      tpu.vector_store_idx %arg12[%gather3A, %add3A_82], %mul3A_83 {add = true} : memref<24x256xf32, #tpu.memory_space<vmem>>[vector<16xi32>, vector<16xi32>], vector<16xf32>,
      %get3A_84 = arith.index_cast %while3A_20 : i32 to index
      %get3A_85 = arith.constant 144 : index
      %get3A_86 = tpu.vector_load %arg10[%get3A_84, %get3A_85] {strides = array<i32>} : memref<32x256xf32, #tpu.memory_space<vmem>>, vector<16xf32>,
      %add3A_87 = arith.constant 144 : i32
      %add3A_88 = vector.broadcast %add3A_87 : i32 to vector<16xi32>
      %add3A_89 = arith.addi %iota3A, %add3A_88 : vector<16xi32>
      tpu.vector_store_idx %arg11[%gather3A, %add3A_89], %get3A_86 {add = true} : memref<24x256xf32, #tpu.memory_space<vmem>>[vector<16xi32>, vector<16xi32>], vector<16xf32>,
      %mul3A_90 = arith.mulf %get3A_86, %get3A_86 : vector<16xf32>
      tpu.vector_store_idx %arg12[%gather3A, %add3A_89], %mul3A_90 {add = true} : memref<24x256xf32, #tpu.memory_space<vmem>>[vector<16xi32>, vector<16xi32>], vector<16xf32>,
      %get3A_91 = arith.index_cast %while3A_20 : i32 to index
      %get3A_92 = arith.constant 160 : index
      %get3A_93 = tpu.vector_load %arg10[%get3A_91, %get3A_92] {strides = array<i32>} : memref<32x256xf32, #tpu.memory_space<vmem>>, vector<16xf32>,
      %add3A_94 = arith.constant 160 : i32
      %add3A_95 = vector.broadcast %add3A_94 : i32 to vector<16xi32>
      %add3A_96 = arith.addi %iota3A, %add3A_95 : vector<16xi32>
      tpu.vector_store_idx %arg11[%gather3A, %add3A_96], %get3A_93 {add = true} : memref<24x256xf32, #tpu.memory_space<vmem>>[vector<16xi32>, vector<16xi32>], vector<16xf32>,
      %mul3A_97 = arith.mulf %get3A_93, %get3A_93 : vector<16xf32>
      tpu.vector_store_idx %arg12[%gather3A, %add3A_96], %mul3A_97 {add = true} : memref<24x256xf32, #tpu.memory_space<vmem>>[vector<16xi32>, vector<16xi32>], vector<16xf32>,
      %get3A_98 = arith.index_cast %while3A_20 : i32 to index
      %get3A_99 = arith.constant 176 : index
      %get3A_100 = tpu.vector_load %arg10[%get3A_98, %get3A_99] {strides = array<i32>} : memref<32x256xf32, #tpu.memory_space<vmem>>, vector<16xf32>,
      %add3A_101 = arith.constant 176 : i32
      %add3A_102 = vector.broadcast %add3A_101 : i32 to vector<16xi32>
      %add3A_103 = arith.addi %iota3A, %add3A_102 : vector<16xi32>
      tpu.vector_store_idx %arg11[%gather3A, %add3A_103], %get3A_100 {add = true} : memref<24x256xf32, #tpu.memory_space<vmem>>[vector<16xi32>, vector<16xi32>], vector<16xf32>,
      %mul3A_104 = arith.mulf %get3A_100, %get3A_100 : vector<16xf32>
      tpu.vector_store_idx %arg12[%gather3A, %add3A_103], %mul3A_104 {add = true} : memref<24x256xf32, #tpu.memory_space<vmem>>[vector<16xi32>, vector<16xi32>], vector<16xf32>,
      %get3A_105 = arith.index_cast %while3A_20 : i32 to index
      %get3A_106 = arith.constant 192 : index
      %get3A_107 = tpu.vector_load %arg10[%get3A_105, %get3A_106] {strides = array<i32>} : memref<32x256xf32, #tpu.memory_space<vmem>>, vector<16xf32>,
      %add3A_108 = arith.constant 192 : i32
      %add3A_109 = vector.broadcast %add3A_108 : i32 to vector<16xi32>
      %add3A_110 = arith.addi %iota3A, %add3A_109 : vector<16xi32>
      tpu.vector_store_idx %arg11[%gather3A, %add3A_110], %get3A_107 {add = true} : memref<24x256xf32, #tpu.memory_space<vmem>>[vector<16xi32>, vector<16xi32>], vector<16xf32>,
      %mul3A_111 = arith.mulf %get3A_107, %get3A_107 : vector<16xf32>
      tpu.vector_store_idx %arg12[%gather3A, %add3A_110], %mul3A_111 {add = true} : memref<24x256xf32, #tpu.memory_space<vmem>>[vector<16xi32>, vector<16xi32>], vector<16xf32>,
      %get3A_112 = arith.index_cast %while3A_20 : i32 to index
      %get3A_113 = arith.constant 208 : index
      %get3A_114 = tpu.vector_load %arg10[%get3A_112, %get3A_113] {strides = array<i32>} : memref<32x256xf32, #tpu.memory_space<vmem>>, vector<16xf32>,
      %add3A_115 = arith.constant 208 : i32
      %add3A_116 = vector.broadcast %add3A_115 : i32 to vector<16xi32>
      %add3A_117 = arith.addi %iota3A, %add3A_116 : vector<16xi32>
      tpu.vector_store_idx %arg11[%gather3A, %add3A_117], %get3A_114 {add = true} : memref<24x256xf32, #tpu.memory_space<vmem>>[vector<16xi32>, vector<16xi32>], vector<16xf32>,
      %mul3A_118 = arith.mulf %get3A_114, %get3A_114 : vector<16xf32>
      tpu.vector_store_idx %arg12[%gather3A, %add3A_117], %mul3A_118 {add = true} : memref<24x256xf32, #tpu.memory_space<vmem>>[vector<16xi32>, vector<16xi32>], vector<16xf32>,
      %get3A_119 = arith.index_cast %while3A_20 : i32 to index
      %get3A_120 = arith.constant 224 : index
      %get3A_121 = tpu.vector_load %arg10[%get3A_119, %get3A_120] {strides = array<i32>} : memref<32x256xf32, #tpu.memory_space<vmem>>, vector<16xf32>,
      %add3A_122 = arith.constant 224 : i32
      %add3A_123 = vector.broadcast %add3A_122 : i32 to vector<16xi32>
      %add3A_124 = arith.addi %iota3A, %add3A_123 : vector<16xi32>
      tpu.vector_store_idx %arg11[%gather3A, %add3A_124], %get3A_121 {add = true} : memref<24x256xf32, #tpu.memory_space<vmem>>[vector<16xi32>, vector<16xi32>], vector<16xf32>,
      %mul3A_125 = arith.mulf %get3A_121, %get3A_121 : vector<16xf32>
      tpu.vector_store_idx %arg12[%gather3A, %add3A_124], %mul3A_125 {add = true} : memref<24x256xf32, #tpu.memory_space<vmem>>[vector<16xi32>, vector<16xi32>], vector<16xf32>,
      %get3A_126 = arith.index_cast %while3A_20 : i32 to index
      %get3A_127 = arith.constant 240 : index
      %get3A_128 = tpu.vector_load %arg10[%get3A_126, %get3A_127] {strides = array<i32>} : memref<32x256xf32, #tpu.memory_space<vmem>>, vector<16xf32>,
      %add3A_129 = arith.constant 240 : i32
      %add3A_130 = vector.broadcast %add3A_129 : i32 to vector<16xi32>
      %add3A_131 = arith.addi %iota3A, %add3A_130 : vector<16xi32>
      tpu.vector_store_idx %arg11[%gather3A, %add3A_131], %get3A_128 {add = true} : memref<24x256xf32, #tpu.memory_space<vmem>>[vector<16xi32>, vector<16xi32>], vector<16xf32>,
      %mul3A_132 = arith.mulf %get3A_128, %get3A_128 : vector<16xf32>
      tpu.vector_store_idx %arg12[%gather3A, %add3A_131], %mul3A_132 {add = true} : memref<24x256xf32, #tpu.memory_space<vmem>>[vector<16xi32>, vector<16xi32>], vector<16xf32>,
    }
    %mul3A_14 = arith.constant 24 : i32
    %mul3A_15 = arith.muli %add3A, %mul3A_14 : i32
    "tpu.region"() ({
      %run_scoped3A = tpu.sem_alloc : memref<!tpu.dma_semaphore, #tpu.memory_space<semaphore_mem>>
      %dma_start3A = arith.constant 0 : i32
      %dma_start3A_20 = tpu.memref_slice %arg6[%mul3A_15, %dma_start3A] : memref<768x256xf32, #tpu.memory_space<hbm>> -> memref<24x256xf32, #tpu.memory_space<hbm>>
      %dma_start3A_21 = arith.constant 0 : i32
      %dma_start3A_22 = tpu.memref_slice %arg6[%mul3A_15, %dma_start3A_21] : memref<768x256xf32, #tpu.memory_space<hbm>> -> memref<24x256xf32, #tpu.memory_space<hbm>>
      tpu.enqueue_dma source(%arg11 : memref<24x256xf32, #tpu.memory_space<vmem>>) target(%dma_start3A_22 : memref<24x256xf32, #tpu.memory_space<hbm>>) target_semaphore(%run_scoped3A : memref<!tpu.dma_semaphore, #tpu.memory_space<semaphore_mem>>)
      %dma_wait3A = arith.constant 0 : i32
      %dma_wait3A_23 = tpu.memref_slice %arg6[%mul3A_15, %dma_wait3A] : memref<768x256xf32, #tpu.memory_space<hbm>> -> memref<24x256xf32, #tpu.memory_space<hbm>>
      %dma_wait3A_24 = arith.constant 0 : i32
      %dma_wait3A_25 = tpu.memref_slice %arg6[%mul3A_15, %dma_wait3A_24] : memref<768x256xf32, #tpu.memory_space<hbm>> -> memref<24x256xf32, #tpu.memory_space<hbm>>
      tpu.wait_dma2 semaphore(%run_scoped3A : memref<!tpu.dma_semaphore, #tpu.memory_space<semaphore_mem>>) src(%arg11 : memref<24x256xf32, #tpu.memory_space<vmem>>) dst(%dma_wait3A_25 : memref<24x256xf32, #tpu.memory_space<hbm>>)
      tpu.yield
    }) : () -> ()
    %mul3A_16 = arith.constant 24 : i32
    %mul3A_17 = arith.muli %add3A, %mul3A_16 : i32
    "tpu.region"() ({
      %run_scoped3A = tpu.sem_alloc : memref<!tpu.dma_semaphore, #tpu.memory_space<semaphore_mem>>
      %dma_start3A = arith.constant 0 : i32
      %dma_start3A_20 = tpu.memref_slice %arg7[%mul3A_17, %dma_start3A] : memref<768x256xf32, #tpu.memory_space<hbm>> -> memref<24x256xf32, #tpu.memory_space<hbm>>
      %dma_start3A_21 = arith.constant 0 : i32
      %dma_start3A_22 = tpu.memref_slice %arg7[%mul3A_17, %dma_start3A_21] : memref<768x256xf32, #tpu.memory_space<hbm>> -> memref<24x256xf32, #tpu.memory_space<hbm>>
      tpu.enqueue_dma source(%arg12 : memref<24x256xf32, #tpu.memory_space<vmem>>) target(%dma_start3A_22 : memref<24x256xf32, #tpu.memory_space<hbm>>) target_semaphore(%run_scoped3A : memref<!tpu.dma_semaphore, #tpu.memory_space<semaphore_mem>>)
      %dma_wait3A = arith.constant 0 : i32
      %dma_wait3A_23 = tpu.memref_slice %arg7[%mul3A_17, %dma_wait3A] : memref<768x256xf32, #tpu.memory_space<hbm>> -> memref<24x256xf32, #tpu.memory_space<hbm>>
      %dma_wait3A_24 = arith.constant 0 : i32
      %dma_wait3A_25 = tpu.memref_slice %arg7[%mul3A_17, %dma_wait3A_24] : memref<768x256xf32, #tpu.memory_space<hbm>> -> memref<24x256xf32, #tpu.memory_space<hbm>>
      tpu.wait_dma2 semaphore(%run_scoped3A : memref<!tpu.dma_semaphore, #tpu.memory_space<semaphore_mem>>) src(%arg12 : memref<24x256xf32, #tpu.memory_space<vmem>>) dst(%dma_wait3A_25 : memref<24x256xf32, #tpu.memory_space<hbm>>)
      tpu.yield
    }) : () -> ()
    %mul3A_18 = arith.constant 24 : i32
    %mul3A_19 = arith.muli %add3A, %mul3A_18 : i32
    "tpu.region"() ({
      %run_scoped3A = tpu.sem_alloc : memref<!tpu.dma_semaphore, #tpu.memory_space<semaphore_mem>>
      %dma_start3A = arith.constant 0 : i32
      %dma_start3A_20 = tpu.memref_slice %arg8[%mul3A_19, %dma_start3A] : memref<768x16xf32, #tpu.memory_space<hbm>> -> memref<24x16xf32, #tpu.memory_space<hbm>>
      %dma_start3A_21 = arith.constant 0 : i32
      %dma_start3A_22 = tpu.memref_slice %arg8[%mul3A_19, %dma_start3A_21] : memref<768x16xf32, #tpu.memory_space<hbm>> -> memref<24x16xf32, #tpu.memory_space<hbm>>
      tpu.enqueue_dma source(%arg13 : memref<24x16xf32, #tpu.memory_space<vmem>>) target(%dma_start3A_22 : memref<24x16xf32, #tpu.memory_space<hbm>>) target_semaphore(%run_scoped3A : memref<!tpu.dma_semaphore, #tpu.memory_space<semaphore_mem>>)
      %dma_wait3A = arith.constant 0 : i32
      %dma_wait3A_23 = tpu.memref_slice %arg8[%mul3A_19, %dma_wait3A] : memref<768x16xf32, #tpu.memory_space<hbm>> -> memref<24x16xf32, #tpu.memory_space<hbm>>
      %dma_wait3A_24 = arith.constant 0 : i32
      %dma_wait3A_25 = tpu.memref_slice %arg8[%mul3A_19, %dma_wait3A_24] : memref<768x16xf32, #tpu.memory_space<hbm>> -> memref<24x16xf32, #tpu.memory_space<hbm>>
      tpu.wait_dma2 semaphore(%run_scoped3A : memref<!tpu.dma_semaphore, #tpu.memory_space<semaphore_mem>>) src(%arg13 : memref<24x16xf32, #tpu.memory_space<vmem>>) dst(%dma_wait3A_25 : memref<24x16xf32, #tpu.memory_space<hbm>>)
      tpu.yield
    }) : () -> ()
    return
  }
}

module attributes {stable_mosaic.version = 14 : i64} {
  func.func @_tc_body(%arg0: memref<1024x256xf32, #tpu.memory_space<vmem>>, %arg1: memref<1x1024xi32, #tpu.memory_space<vmem>>, %arg2: memref<1024x1xi32, #tpu.memory_space<vmem>>, %arg3: memref<51xf32, #tpu.memory_space<smem>>, %arg4: memref<32x24x256xf32, #tpu.memory_space<vmem>>, %arg5: memref<32x24x256xf32, #tpu.memory_space<vmem>>, %arg6: memref<32x24x16xf32, #tpu.memory_space<vmem>>, %arg7: memref<1x1xf32, #tpu.memory_space<smem>>, %arg8: memref<51x19x256xf32, #tpu.memory_space<vmem>>, %arg9: memref<51x19x256xf32, #tpu.memory_space<vmem>>) attributes {dimension_semantics = [], scalar_prefetch = 0 : i64, scratch_operands = 2 : i64, tpu.core_type = #tpu.core_type<tc>} {
    %get3A = arith.constant 0 : index
    %get3A_0 = arith.constant 0 : index
    %get3A_1 = vector.load %arg0[%get3A, %get3A_0] : memref<1024x256xf32, #tpu.memory_space<vmem>>, vector<1024x256xf32>
    %get3A_2 = arith.constant 0 : index
    %get3A_3 = arith.constant 0 : index
    %get3A_4 = vector.load %arg1[%get3A_2, %get3A_3] : memref<1x1024xi32, #tpu.memory_space<vmem>>, vector<1x1024xi32>
    %get3A_5 = arith.constant 0 : index
    %get3A_6 = arith.constant 0 : index
    %get3A_7 = vector.load %arg2[%get3A_5, %get3A_6] : memref<1024x1xi32, #tpu.memory_space<vmem>>, vector<1024x1xi32>
    %get3A_8 = arith.constant 0 : index
    %get3A_9 = arith.constant 0 : index
    %get3A_10 = arith.constant 0 : index
    %get3A_11 = vector.load %arg4[%get3A_8, %get3A_9, %get3A_10] : memref<32x24x256xf32, #tpu.memory_space<vmem>>, vector<32x24x256xf32>
    %reduce_sum3A = arith.constant dense<0.000000e+00> : vector<24x256xf32>
    %reduce_sum3A_12 = vector.multi_reduction <add>, %get3A_11, %reduce_sum3A [0] : vector<32x24x256xf32> to vector<24x256xf32>
    %slice3A = vector.extract_strided_slice %reduce_sum3A_12 {offsets = [0, 0], sizes = [19, 256], strides = [1, 1]} : vector<24x256xf32> to vector<19x256xf32>
    %get3A_13 = arith.constant 0 : index
    %get3A_14 = arith.constant 0 : index
    %get3A_15 = arith.constant 0 : index
    %get3A_16 = vector.load %arg5[%get3A_13, %get3A_14, %get3A_15] : memref<32x24x256xf32, #tpu.memory_space<vmem>>, vector<32x24x256xf32>
    %reduce_sum3A_17 = arith.constant dense<0.000000e+00> : vector<24x256xf32>
    %reduce_sum3A_18 = vector.multi_reduction <add>, %get3A_16, %reduce_sum3A_17 [0] : vector<32x24x256xf32> to vector<24x256xf32>
    %slice3A_19 = vector.extract_strided_slice %reduce_sum3A_18 {offsets = [0, 0], sizes = [19, 256], strides = [1, 1]} : vector<24x256xf32> to vector<19x256xf32>
    %get3A_20 = arith.constant 0 : index
    %get3A_21 = arith.constant 0 : index
    %get3A_22 = arith.constant 0 : index
    %get3A_23 = vector.load %arg6[%get3A_20, %get3A_21, %get3A_22] : memref<32x24x16xf32, #tpu.memory_space<vmem>>, vector<32x24x16xf32>
    %reduce_sum3A_24 = arith.constant dense<0.000000e+00> : vector<24x16xf32>
    %reduce_sum3A_25 = vector.multi_reduction <add>, %get3A_23, %reduce_sum3A_24 [0] : vector<32x24x16xf32> to vector<24x16xf32>
    %slice3A_26 = vector.extract_strided_slice %reduce_sum3A_25 {offsets = [0, 0], sizes = [19, 1], strides = [1, 1]} : vector<24x16xf32> to vector<19x1xf32>
    %iota3A = tpu.iota {dimensions = array<i32: 0>} : vector<19x1024xi32>
    %eq3A = vector.broadcast %get3A_4 : vector<1x1024xi32> to vector<19x1024xi32>
    %eq3A_27 = arith.cmpi eq, %iota3A, %eq3A : vector<19x1024xi32>
    %convert_element_type3A = arith.extui %eq3A_27 : vector<19x1024xi1> to vector<19x1024xi32>
    %convert_element_type3A_28 = arith.sitofp %convert_element_type3A : vector<19x1024xi32> to vector<19x1024xf32>
    %iota3A_29 = tpu.iota {dimensions = array<i32: 1>} : vector<1024x19xi32>
    %eq3A_30 = vector.broadcast %get3A_7 : vector<1024x1xi32> to vector<1024x19xi32>
    %eq3A_31 = arith.cmpi eq, %iota3A_29, %eq3A_30 : vector<1024x19xi32>
    %convert_element_type3A_32 = arith.extui %eq3A_31 : vector<1024x19xi1> to vector<1024x19xi32>
    %convert_element_type3A_33 = arith.sitofp %convert_element_type3A_32 : vector<1024x19xi32> to vector<1024x19xf32>
    %max3A = arith.constant 1.000000e+00 : f32
    %max3A_34 = vector.broadcast %max3A : f32 to vector<19x1xf32>
    %max3A_35 = arith.maximumf %slice3A_26, %max3A_34 : vector<19x1xf32>
    %div3A = arith.constant 1.000000e+00 : f32
    %div3A_36 = vector.broadcast %div3A : f32 to vector<19x1xf32>
    %div3A_37 = arith.divf %div3A_36, %max3A_35 : vector<19x1xf32>
    %mul3A = vector.broadcast %div3A_37 : vector<19x1xf32> to vector<19x256xf32>
    %mul3A_38 = arith.mulf %slice3A, %mul3A : vector<19x256xf32>
    %mul3A_39 = vector.broadcast %div3A_37 : vector<19x1xf32> to vector<19x256xf32>
    %mul3A_40 = arith.mulf %slice3A_19, %mul3A_39 : vector<19x256xf32>
    %mul3A_41 = arith.mulf %mul3A_38, %mul3A_38 : vector<19x256xf32>
    %sub3A = arith.subf %mul3A_40, %mul3A_41 : vector<19x256xf32>
    %max3A_42 = arith.constant 9.99999996E-13 : f32
    %max3A_43 = vector.broadcast %max3A_42 : f32 to vector<19x256xf32>
    %max3A_44 = arith.maximumf %sub3A, %max3A_43 : vector<19x256xf32>
    %mul3A_45 = arith.constant 4.000000e-02 : f32
    %mul3A_46 = vector.broadcast %mul3A_45 : f32 to vector<19x256xf32>
    %mul3A_47 = arith.mulf %max3A_44, %mul3A_46 : vector<19x256xf32>
    %div3A_48 = arith.constant -5.000000e-01 : f32
    %div3A_49 = vector.broadcast %div3A_48 : f32 to vector<19x256xf32>
    %div3A_50 = arith.divf %div3A_49, %mul3A_47 : vector<19x256xf32>
    %mul3A_51 = arith.constant 6.28318548 : f32
    %mul3A_52 = vector.broadcast %mul3A_51 : f32 to vector<19x256xf32>
    %mul3A_53 = arith.mulf %mul3A_52, %mul3A_47 : vector<19x256xf32>
    %rsqrt3A = math.rsqrt %mul3A_53 : vector<19x256xf32>
    %div3A_54 = arith.constant -5.000000e-01 : f32
    %div3A_55 = vector.broadcast %div3A_54 : f32 to vector<19x256xf32>
    %div3A_56 = arith.divf %div3A_55, %max3A_44 : vector<19x256xf32>
    %mul3A_57 = arith.constant 6.28318548 : f32
    %mul3A_58 = vector.broadcast %mul3A_57 : f32 to vector<19x256xf32>
    %mul3A_59 = arith.mulf %mul3A_58, %max3A_44 : vector<19x256xf32>
    %rsqrt3A_60 = math.rsqrt %mul3A_59 : vector<19x256xf32>
    %dot_general3A = arith.constant dense<0.000000e+00> : vector<1024x256xf32>
    %dot_general3A_61 = tpu.matmul %convert_element_type3A_33, %div3A_50, %dot_general3A {dimension_numbers = #tpu.dot_dimension_numbers<[1], [0], [0], [1], [0, 0, 1, 1], [], []>, precision = #tpu.contract_precision<fp32>, transpose_lhs_hint = false} : vector<1024x19xf32>, vector<19x256xf32>, vector<1024x256xf32> -> vector<1024x256xf32>
    %dot_general3A_62 = arith.constant dense<0.000000e+00> : vector<1024x256xf32>
    %dot_general3A_63 = tpu.matmul %convert_element_type3A_33, %rsqrt3A, %dot_general3A_62 {dimension_numbers = #tpu.dot_dimension_numbers<[1], [0], [0], [1], [0, 0, 1, 1], [], []>, precision = #tpu.contract_precision<fp32>, transpose_lhs_hint = false} : vector<1024x19xf32>, vector<19x256xf32>, vector<1024x256xf32> -> vector<1024x256xf32>
    %convert_element_type3A_64 = arith.truncf %convert_element_type3A_28 : vector<19x1024xf32> to vector<19x1024xbf16>
    %while3A = arith.constant 0 : i64
    %while3A_65 = arith.constant 0 : i32
    %while3A_66 = arith.constant 17 : i32
    %while3A_67 = arith.subi %while3A_66, %while3A_65 : i32
    %while3A_68 = arith.addi %while3A_65, %while3A_67 : i32
    %while3A_69 = arith.constant 1 : i32
    %while3A_70 = arith.divsi %while3A_67, %while3A_69 : i32
    %while3A_71 = arith.muli %while3A_70, %while3A_69 : i32
    %while3A_72 = arith.addi %while3A_65, %while3A_71 : i32
    %while3A_73 = arith.constant 1 : i32
    scf.for %while3A_138 = %while3A_65 to %while3A_72 step %while3A_73  : i32 {
      %mul3A_139 = arith.constant 3 : i32
      %mul3A_140 = arith.muli %while3A_138, %mul3A_139 : i32
      %add3A = arith.constant 0 : i32
      %add3A_141 = arith.addi %mul3A_140, %add3A : i32
      %get3A_142 = arith.index_cast %add3A_141 : i32 to index
      %get3A_143 = memref.load %arg3[%get3A_142] : memref<51xf32, #tpu.memory_space<smem>>
      %sub3A_144 = vector.broadcast %get3A_143 : f32 to vector<1024x256xf32>
      %sub3A_145 = arith.subf %sub3A_144, %get3A_1 : vector<1024x256xf32>
      %mul3A_146 = arith.mulf %sub3A_145, %sub3A_145 : vector<1024x256xf32>
      %mul3A_147 = arith.mulf %mul3A_146, %dot_general3A_61 : vector<1024x256xf32>
      %exp3A = math.exp %mul3A_147 : vector<1024x256xf32>
      %mul3A_148 = arith.mulf %exp3A, %dot_general3A_63 : vector<1024x256xf32>
      %convert_element_type3A_149 = arith.truncf %mul3A_148 : vector<1024x256xf32> to vector<1024x256xbf16>
      %dot_general3A_150 = arith.constant dense<0.000000e+00> : vector<19x256xf32>
      %dot_general3A_151 = tpu.matmul %convert_element_type3A_64, %convert_element_type3A_149, %dot_general3A_150 {dimension_numbers = #tpu.dot_dimension_numbers<[1], [0], [0], [1], [0, 0, 1, 1], [], []>, transpose_lhs_hint = false} : vector<19x1024xbf16>, vector<1024x256xbf16>, vector<19x256xf32> -> vector<19x256xf32>
      %broadcast_in_dim3A_152 = vector.shape_cast %dot_general3A_151 : vector<19x256xf32> to vector<1x19x256xf32>
      %swap3A_153 = arith.index_cast %add3A_141 : i32 to index
      %swap3A_154 = arith.constant 0 : index
      %swap3A_155 = arith.constant 0 : index
      %swap3A_156 = vector.load %arg8[%swap3A_153, %swap3A_154, %swap3A_155] : memref<51x19x256xf32, #tpu.memory_space<vmem>>, vector<1x19x256xf32>
      tpu.vector_store %arg8[%swap3A_153, %swap3A_154, %swap3A_155], %broadcast_in_dim3A_152 {strides = array<i32>} : memref<51x19x256xf32, #tpu.memory_space<vmem>>, vector<1x19x256xf32>,
      %sub3A_157 = vector.broadcast %get3A_143 : f32 to vector<19x256xf32>
      %sub3A_158 = arith.subf %sub3A_157, %mul3A_38 : vector<19x256xf32>
      %mul3A_159 = arith.mulf %sub3A_158, %sub3A_158 : vector<19x256xf32>
      %mul3A_160 = arith.mulf %mul3A_159, %div3A_56 : vector<19x256xf32>
      %exp3A_161 = math.exp %mul3A_160 : vector<19x256xf32>
      %mul3A_162 = arith.mulf %exp3A_161, %rsqrt3A_60 : vector<19x256xf32>
      %broadcast_in_dim3A_163 = vector.shape_cast %mul3A_162 : vector<19x256xf32> to vector<1x19x256xf32>
      %swap3A_164 = arith.index_cast %add3A_141 : i32 to index
      %swap3A_165 = arith.constant 0 : index
      %swap3A_166 = arith.constant 0 : index
      %swap3A_167 = vector.load %arg9[%swap3A_164, %swap3A_165, %swap3A_166] : memref<51x19x256xf32, #tpu.memory_space<vmem>>, vector<1x19x256xf32>
      tpu.vector_store %arg9[%swap3A_164, %swap3A_165, %swap3A_166], %broadcast_in_dim3A_163 {strides = array<i32>} : memref<51x19x256xf32, #tpu.memory_space<vmem>>, vector<1x19x256xf32>,
      %mul3A_168 = arith.constant 3 : i32
      %mul3A_169 = arith.muli %while3A_138, %mul3A_168 : i32
      %add3A_170 = arith.constant 1 : i32
      %add3A_171 = arith.addi %mul3A_169, %add3A_170 : i32
      %get3A_172 = arith.index_cast %add3A_171 : i32 to index
      %get3A_173 = memref.load %arg3[%get3A_172] : memref<51xf32, #tpu.memory_space<smem>>
      %sub3A_174 = vector.broadcast %get3A_173 : f32 to vector<1024x256xf32>
      %sub3A_175 = arith.subf %sub3A_174, %get3A_1 : vector<1024x256xf32>
      %mul3A_176 = arith.mulf %sub3A_175, %sub3A_175 : vector<1024x256xf32>
      %mul3A_177 = arith.mulf %mul3A_176, %dot_general3A_61 : vector<1024x256xf32>
      %exp3A_178 = math.exp %mul3A_177 : vector<1024x256xf32>
      %mul3A_179 = arith.mulf %exp3A_178, %dot_general3A_63 : vector<1024x256xf32>
      %convert_element_type3A_180 = arith.truncf %mul3A_179 : vector<1024x256xf32> to vector<1024x256xbf16>
      %dot_general3A_181 = arith.constant dense<0.000000e+00> : vector<19x256xf32>
      %dot_general3A_182 = tpu.matmul %convert_element_type3A_64, %convert_element_type3A_180, %dot_general3A_181 {dimension_numbers = #tpu.dot_dimension_numbers<[1], [0], [0], [1], [0, 0, 1, 1], [], []>, transpose_lhs_hint = false} : vector<19x1024xbf16>, vector<1024x256xbf16>, vector<19x256xf32> -> vector<19x256xf32>
      %broadcast_in_dim3A_183 = vector.shape_cast %dot_general3A_182 : vector<19x256xf32> to vector<1x19x256xf32>
      %swap3A_184 = arith.index_cast %add3A_171 : i32 to index
      %swap3A_185 = arith.constant 0 : index
      %swap3A_186 = arith.constant 0 : index
      %swap3A_187 = vector.load %arg8[%swap3A_184, %swap3A_185, %swap3A_186] : memref<51x19x256xf32, #tpu.memory_space<vmem>>, vector<1x19x256xf32>
      tpu.vector_store %arg8[%swap3A_184, %swap3A_185, %swap3A_186], %broadcast_in_dim3A_183 {strides = array<i32>} : memref<51x19x256xf32, #tpu.memory_space<vmem>>, vector<1x19x256xf32>,
      %sub3A_188 = vector.broadcast %get3A_173 : f32 to vector<19x256xf32>
      %sub3A_189 = arith.subf %sub3A_188, %mul3A_38 : vector<19x256xf32>
      %mul3A_190 = arith.mulf %sub3A_189, %sub3A_189 : vector<19x256xf32>
      %mul3A_191 = arith.mulf %mul3A_190, %div3A_56 : vector<19x256xf32>
      %exp3A_192 = math.exp %mul3A_191 : vector<19x256xf32>
      %mul3A_193 = arith.mulf %exp3A_192, %rsqrt3A_60 : vector<19x256xf32>
      %broadcast_in_dim3A_194 = vector.shape_cast %mul3A_193 : vector<19x256xf32> to vector<1x19x256xf32>
      %swap3A_195 = arith.index_cast %add3A_171 : i32 to index
      %swap3A_196 = arith.constant 0 : index
      %swap3A_197 = arith.constant 0 : index
      %swap3A_198 = vector.load %arg9[%swap3A_195, %swap3A_196, %swap3A_197] : memref<51x19x256xf32, #tpu.memory_space<vmem>>, vector<1x19x256xf32>
      tpu.vector_store %arg9[%swap3A_195, %swap3A_196, %swap3A_197], %broadcast_in_dim3A_194 {strides = array<i32>} : memref<51x19x256xf32, #tpu.memory_space<vmem>>, vector<1x19x256xf32>,
      %mul3A_199 = arith.constant 3 : i32
      %mul3A_200 = arith.muli %while3A_138, %mul3A_199 : i32
      %add3A_201 = arith.constant 2 : i32
      %add3A_202 = arith.addi %mul3A_200, %add3A_201 : i32
      %get3A_203 = arith.index_cast %add3A_202 : i32 to index
      %get3A_204 = memref.load %arg3[%get3A_203] : memref<51xf32, #tpu.memory_space<smem>>
      %sub3A_205 = vector.broadcast %get3A_204 : f32 to vector<1024x256xf32>
      %sub3A_206 = arith.subf %sub3A_205, %get3A_1 : vector<1024x256xf32>
      %mul3A_207 = arith.mulf %sub3A_206, %sub3A_206 : vector<1024x256xf32>
      %mul3A_208 = arith.mulf %mul3A_207, %dot_general3A_61 : vector<1024x256xf32>
      %exp3A_209 = math.exp %mul3A_208 : vector<1024x256xf32>
      %mul3A_210 = arith.mulf %exp3A_209, %dot_general3A_63 : vector<1024x256xf32>
      %convert_element_type3A_211 = arith.truncf %mul3A_210 : vector<1024x256xf32> to vector<1024x256xbf16>
      %dot_general3A_212 = arith.constant dense<0.000000e+00> : vector<19x256xf32>
      %dot_general3A_213 = tpu.matmul %convert_element_type3A_64, %convert_element_type3A_211, %dot_general3A_212 {dimension_numbers = #tpu.dot_dimension_numbers<[1], [0], [0], [1], [0, 0, 1, 1], [], []>, transpose_lhs_hint = false} : vector<19x1024xbf16>, vector<1024x256xbf16>, vector<19x256xf32> -> vector<19x256xf32>
      %broadcast_in_dim3A_214 = vector.shape_cast %dot_general3A_213 : vector<19x256xf32> to vector<1x19x256xf32>
      %swap3A_215 = arith.index_cast %add3A_202 : i32 to index
      %swap3A_216 = arith.constant 0 : index
      %swap3A_217 = arith.constant 0 : index
      %swap3A_218 = vector.load %arg8[%swap3A_215, %swap3A_216, %swap3A_217] : memref<51x19x256xf32, #tpu.memory_space<vmem>>, vector<1x19x256xf32>
      tpu.vector_store %arg8[%swap3A_215, %swap3A_216, %swap3A_217], %broadcast_in_dim3A_214 {strides = array<i32>} : memref<51x19x256xf32, #tpu.memory_space<vmem>>, vector<1x19x256xf32>,
      %sub3A_219 = vector.broadcast %get3A_204 : f32 to vector<19x256xf32>
      %sub3A_220 = arith.subf %sub3A_219, %mul3A_38 : vector<19x256xf32>
      %mul3A_221 = arith.mulf %sub3A_220, %sub3A_220 : vector<19x256xf32>
      %mul3A_222 = arith.mulf %mul3A_221, %div3A_56 : vector<19x256xf32>
      %exp3A_223 = math.exp %mul3A_222 : vector<19x256xf32>
      %mul3A_224 = arith.mulf %exp3A_223, %rsqrt3A_60 : vector<19x256xf32>
      %broadcast_in_dim3A_225 = vector.shape_cast %mul3A_224 : vector<19x256xf32> to vector<1x19x256xf32>
      %swap3A_226 = arith.index_cast %add3A_202 : i32 to index
      %swap3A_227 = arith.constant 0 : index
      %swap3A_228 = arith.constant 0 : index
      %swap3A_229 = vector.load %arg9[%swap3A_226, %swap3A_227, %swap3A_228] : memref<51x19x256xf32, #tpu.memory_space<vmem>>, vector<1x19x256xf32>
      tpu.vector_store %arg9[%swap3A_226, %swap3A_227, %swap3A_228], %broadcast_in_dim3A_225 {strides = array<i32>} : memref<51x19x256xf32, #tpu.memory_space<vmem>>, vector<1x19x256xf32>,
    }
    %while3A_74 = arith.constant 1 : i32
    scf.for %while3A_138 = %while3A_72 to %while3A_68 step %while3A_74  : i32 {
      %mul3A_139 = arith.constant 3 : i32
      %mul3A_140 = arith.muli %while3A_138, %mul3A_139 : i32
      %add3A = arith.constant 0 : i32
      %add3A_141 = arith.addi %mul3A_140, %add3A : i32
      %get3A_142 = arith.index_cast %add3A_141 : i32 to index
      %get3A_143 = memref.load %arg3[%get3A_142] : memref<51xf32, #tpu.memory_space<smem>>
      %sub3A_144 = vector.broadcast %get3A_143 : f32 to vector<1024x256xf32>
      %sub3A_145 = arith.subf %sub3A_144, %get3A_1 : vector<1024x256xf32>
      %mul3A_146 = arith.mulf %sub3A_145, %sub3A_145 : vector<1024x256xf32>
      %mul3A_147 = arith.mulf %mul3A_146, %dot_general3A_61 : vector<1024x256xf32>
      %exp3A = math.exp %mul3A_147 : vector<1024x256xf32>
      %mul3A_148 = arith.mulf %exp3A, %dot_general3A_63 : vector<1024x256xf32>
      %convert_element_type3A_149 = arith.truncf %mul3A_148 : vector<1024x256xf32> to vector<1024x256xbf16>
      %dot_general3A_150 = arith.constant dense<0.000000e+00> : vector<19x256xf32>
      %dot_general3A_151 = tpu.matmul %convert_element_type3A_64, %convert_element_type3A_149, %dot_general3A_150 {dimension_numbers = #tpu.dot_dimension_numbers<[1], [0], [0], [1], [0, 0, 1, 1], [], []>, transpose_lhs_hint = false} : vector<19x1024xbf16>, vector<1024x256xbf16>, vector<19x256xf32> -> vector<19x256xf32>
      %broadcast_in_dim3A_152 = vector.shape_cast %dot_general3A_151 : vector<19x256xf32> to vector<1x19x256xf32>
      %swap3A_153 = arith.index_cast %add3A_141 : i32 to index
      %swap3A_154 = arith.constant 0 : index
      %swap3A_155 = arith.constant 0 : index
      %swap3A_156 = vector.load %arg8[%swap3A_153, %swap3A_154, %swap3A_155] : memref<51x19x256xf32, #tpu.memory_space<vmem>>, vector<1x19x256xf32>
      tpu.vector_store %arg8[%swap3A_153, %swap3A_154, %swap3A_155], %broadcast_in_dim3A_152 {strides = array<i32>} : memref<51x19x256xf32, #tpu.memory_space<vmem>>, vector<1x19x256xf32>,
      %sub3A_157 = vector.broadcast %get3A_143 : f32 to vector<19x256xf32>
      %sub3A_158 = arith.subf %sub3A_157, %mul3A_38 : vector<19x256xf32>
      %mul3A_159 = arith.mulf %sub3A_158, %sub3A_158 : vector<19x256xf32>
      %mul3A_160 = arith.mulf %mul3A_159, %div3A_56 : vector<19x256xf32>
      %exp3A_161 = math.exp %mul3A_160 : vector<19x256xf32>
      %mul3A_162 = arith.mulf %exp3A_161, %rsqrt3A_60 : vector<19x256xf32>
      %broadcast_in_dim3A_163 = vector.shape_cast %mul3A_162 : vector<19x256xf32> to vector<1x19x256xf32>
      %swap3A_164 = arith.index_cast %add3A_141 : i32 to index
      %swap3A_165 = arith.constant 0 : index
      %swap3A_166 = arith.constant 0 : index
      %swap3A_167 = vector.load %arg9[%swap3A_164, %swap3A_165, %swap3A_166] : memref<51x19x256xf32, #tpu.memory_space<vmem>>, vector<1x19x256xf32>
      tpu.vector_store %arg9[%swap3A_164, %swap3A_165, %swap3A_166], %broadcast_in_dim3A_163 {strides = array<i32>} : memref<51x19x256xf32, #tpu.memory_space<vmem>>, vector<1x19x256xf32>,
      %mul3A_168 = arith.constant 3 : i32
      %mul3A_169 = arith.muli %while3A_138, %mul3A_168 : i32
      %add3A_170 = arith.constant 1 : i32
      %add3A_171 = arith.addi %mul3A_169, %add3A_170 : i32
      %get3A_172 = arith.index_cast %add3A_171 : i32 to index
      %get3A_173 = memref.load %arg3[%get3A_172] : memref<51xf32, #tpu.memory_space<smem>>
      %sub3A_174 = vector.broadcast %get3A_173 : f32 to vector<1024x256xf32>
      %sub3A_175 = arith.subf %sub3A_174, %get3A_1 : vector<1024x256xf32>
      %mul3A_176 = arith.mulf %sub3A_175, %sub3A_175 : vector<1024x256xf32>
      %mul3A_177 = arith.mulf %mul3A_176, %dot_general3A_61 : vector<1024x256xf32>
      %exp3A_178 = math.exp %mul3A_177 : vector<1024x256xf32>
      %mul3A_179 = arith.mulf %exp3A_178, %dot_general3A_63 : vector<1024x256xf32>
      %convert_element_type3A_180 = arith.truncf %mul3A_179 : vector<1024x256xf32> to vector<1024x256xbf16>
      %dot_general3A_181 = arith.constant dense<0.000000e+00> : vector<19x256xf32>
      %dot_general3A_182 = tpu.matmul %convert_element_type3A_64, %convert_element_type3A_180, %dot_general3A_181 {dimension_numbers = #tpu.dot_dimension_numbers<[1], [0], [0], [1], [0, 0, 1, 1], [], []>, transpose_lhs_hint = false} : vector<19x1024xbf16>, vector<1024x256xbf16>, vector<19x256xf32> -> vector<19x256xf32>
      %broadcast_in_dim3A_183 = vector.shape_cast %dot_general3A_182 : vector<19x256xf32> to vector<1x19x256xf32>
      %swap3A_184 = arith.index_cast %add3A_171 : i32 to index
      %swap3A_185 = arith.constant 0 : index
      %swap3A_186 = arith.constant 0 : index
      %swap3A_187 = vector.load %arg8[%swap3A_184, %swap3A_185, %swap3A_186] : memref<51x19x256xf32, #tpu.memory_space<vmem>>, vector<1x19x256xf32>
      tpu.vector_store %arg8[%swap3A_184, %swap3A_185, %swap3A_186], %broadcast_in_dim3A_183 {strides = array<i32>} : memref<51x19x256xf32, #tpu.memory_space<vmem>>, vector<1x19x256xf32>,
      %sub3A_188 = vector.broadcast %get3A_173 : f32 to vector<19x256xf32>
      %sub3A_189 = arith.subf %sub3A_188, %mul3A_38 : vector<19x256xf32>
      %mul3A_190 = arith.mulf %sub3A_189, %sub3A_189 : vector<19x256xf32>
      %mul3A_191 = arith.mulf %mul3A_190, %div3A_56 : vector<19x256xf32>
      %exp3A_192 = math.exp %mul3A_191 : vector<19x256xf32>
      %mul3A_193 = arith.mulf %exp3A_192, %rsqrt3A_60 : vector<19x256xf32>
      %broadcast_in_dim3A_194 = vector.shape_cast %mul3A_193 : vector<19x256xf32> to vector<1x19x256xf32>
      %swap3A_195 = arith.index_cast %add3A_171 : i32 to index
      %swap3A_196 = arith.constant 0 : index
      %swap3A_197 = arith.constant 0 : index
      %swap3A_198 = vector.load %arg9[%swap3A_195, %swap3A_196, %swap3A_197] : memref<51x19x256xf32, #tpu.memory_space<vmem>>, vector<1x19x256xf32>
      tpu.vector_store %arg9[%swap3A_195, %swap3A_196, %swap3A_197], %broadcast_in_dim3A_194 {strides = array<i32>} : memref<51x19x256xf32, #tpu.memory_space<vmem>>, vector<1x19x256xf32>,
      %mul3A_199 = arith.constant 3 : i32
      %mul3A_200 = arith.muli %while3A_138, %mul3A_199 : i32
      %add3A_201 = arith.constant 2 : i32
      %add3A_202 = arith.addi %mul3A_200, %add3A_201 : i32
      %get3A_203 = arith.index_cast %add3A_202 : i32 to index
      %get3A_204 = memref.load %arg3[%get3A_203] : memref<51xf32, #tpu.memory_space<smem>>
      %sub3A_205 = vector.broadcast %get3A_204 : f32 to vector<1024x256xf32>
      %sub3A_206 = arith.subf %sub3A_205, %get3A_1 : vector<1024x256xf32>
      %mul3A_207 = arith.mulf %sub3A_206, %sub3A_206 : vector<1024x256xf32>
      %mul3A_208 = arith.mulf %mul3A_207, %dot_general3A_61 : vector<1024x256xf32>
      %exp3A_209 = math.exp %mul3A_208 : vector<1024x256xf32>
      %mul3A_210 = arith.mulf %exp3A_209, %dot_general3A_63 : vector<1024x256xf32>
      %convert_element_type3A_211 = arith.truncf %mul3A_210 : vector<1024x256xf32> to vector<1024x256xbf16>
      %dot_general3A_212 = arith.constant dense<0.000000e+00> : vector<19x256xf32>
      %dot_general3A_213 = tpu.matmul %convert_element_type3A_64, %convert_element_type3A_211, %dot_general3A_212 {dimension_numbers = #tpu.dot_dimension_numbers<[1], [0], [0], [1], [0, 0, 1, 1], [], []>, transpose_lhs_hint = false} : vector<19x1024xbf16>, vector<1024x256xbf16>, vector<19x256xf32> -> vector<19x256xf32>
      %broadcast_in_dim3A_214 = vector.shape_cast %dot_general3A_213 : vector<19x256xf32> to vector<1x19x256xf32>
      %swap3A_215 = arith.index_cast %add3A_202 : i32 to index
      %swap3A_216 = arith.constant 0 : index
      %swap3A_217 = arith.constant 0 : index
      %swap3A_218 = vector.load %arg8[%swap3A_215, %swap3A_216, %swap3A_217] : memref<51x19x256xf32, #tpu.memory_space<vmem>>, vector<1x19x256xf32>
      tpu.vector_store %arg8[%swap3A_215, %swap3A_216, %swap3A_217], %broadcast_in_dim3A_214 {strides = array<i32>} : memref<51x19x256xf32, #tpu.memory_space<vmem>>, vector<1x19x256xf32>,
      %sub3A_219 = vector.broadcast %get3A_204 : f32 to vector<19x256xf32>
      %sub3A_220 = arith.subf %sub3A_219, %mul3A_38 : vector<19x256xf32>
      %mul3A_221 = arith.mulf %sub3A_220, %sub3A_220 : vector<19x256xf32>
      %mul3A_222 = arith.mulf %mul3A_221, %div3A_56 : vector<19x256xf32>
      %exp3A_223 = math.exp %mul3A_222 : vector<19x256xf32>
      %mul3A_224 = arith.mulf %exp3A_223, %rsqrt3A_60 : vector<19x256xf32>
      %broadcast_in_dim3A_225 = vector.shape_cast %mul3A_224 : vector<19x256xf32> to vector<1x19x256xf32>
      %swap3A_226 = arith.index_cast %add3A_202 : i32 to index
      %swap3A_227 = arith.constant 0 : index
      %swap3A_228 = arith.constant 0 : index
      %swap3A_229 = vector.load %arg9[%swap3A_226, %swap3A_227, %swap3A_228] : memref<51x19x256xf32, #tpu.memory_space<vmem>>, vector<1x19x256xf32>
      tpu.vector_store %arg9[%swap3A_226, %swap3A_227, %swap3A_228], %broadcast_in_dim3A_225 {strides = array<i32>} : memref<51x19x256xf32, #tpu.memory_space<vmem>>, vector<1x19x256xf32>,
    }
    %get3A_75 = arith.constant 0 : index
    %get3A_76 = arith.constant 0 : index
    %get3A_77 = arith.constant 0 : index
    %get3A_78 = vector.load %arg8[%get3A_75, %get3A_76, %get3A_77] : memref<51x19x256xf32, #tpu.memory_space<vmem>>, vector<51x19x256xf32>
    %get3A_79 = arith.constant 0 : index
    %get3A_80 = arith.constant 0 : index
    %get3A_81 = arith.constant 0 : index
    %get3A_82 = vector.load %arg9[%get3A_79, %get3A_80, %get3A_81] : memref<51x19x256xf32, #tpu.memory_space<vmem>>, vector<51x19x256xf32>
    %reduce_sum3A_83 = arith.constant dense<0.000000e+00> : vector<19x256xf32>
    %reduce_sum3A_84 = vector.multi_reduction <add>, %get3A_78, %reduce_sum3A_83 [0] : vector<51x19x256xf32> to vector<19x256xf32>
    %max3A_85 = arith.constant 9.99999968E-21 : f32
    %max3A_86 = vector.broadcast %max3A_85 : f32 to vector<19x256xf32>
    %max3A_87 = arith.maximumf %reduce_sum3A_84, %max3A_86 : vector<19x256xf32>
    %div3A_88 = arith.constant 1.000000e+00 : f32
    %div3A_89 = vector.broadcast %div3A_88 : f32 to vector<19x256xf32>
    %div3A_90 = arith.divf %div3A_89, %max3A_87 : vector<19x256xf32>
    %reduce_sum3A_91 = arith.constant dense<0.000000e+00> : vector<19x256xf32>
    %reduce_sum3A_92 = vector.multi_reduction <add>, %get3A_82, %reduce_sum3A_91 [0] : vector<51x19x256xf32> to vector<19x256xf32>
    %max3A_93 = arith.constant 9.99999968E-21 : f32
    %max3A_94 = vector.broadcast %max3A_93 : f32 to vector<19x256xf32>
    %max3A_95 = arith.maximumf %reduce_sum3A_92, %max3A_94 : vector<19x256xf32>
    %div3A_96 = arith.constant 1.000000e+00 : f32
    %div3A_97 = vector.broadcast %div3A_96 : f32 to vector<19x256xf32>
    %div3A_98 = arith.divf %div3A_97, %max3A_95 : vector<19x256xf32>
    %broadcast_in_dim3A = vector.shape_cast %div3A_90 : vector<19x256xf32> to vector<1x19x256xf32>
    %mul3A_99 = vector.broadcast %broadcast_in_dim3A : vector<1x19x256xf32> to vector<51x19x256xf32>
    %mul3A_100 = arith.mulf %get3A_78, %mul3A_99 : vector<51x19x256xf32>
    %broadcast_in_dim3A_101 = vector.shape_cast %div3A_98 : vector<19x256xf32> to vector<1x19x256xf32>
    %mul3A_102 = vector.broadcast %broadcast_in_dim3A_101 : vector<1x19x256xf32> to vector<51x19x256xf32>
    %mul3A_103 = arith.mulf %get3A_82, %mul3A_102 : vector<51x19x256xf32>
    %sub3A_104 = arith.subf %mul3A_100, %mul3A_103 : vector<51x19x256xf32>
    %abs3A = math.absf %sub3A_104 : vector<51x19x256xf32>
    %lt3A = arith.constant 1.000000e+00 : f32
    %lt3A_105 = vector.broadcast %lt3A : f32 to vector<51x19x256xf32>
    %lt3A_106 = arith.cmpf olt, %abs3A, %lt3A_105 : vector<51x19x256xf32>
    %mul3A_107 = arith.constant 5.000000e-01 : f32
    %mul3A_108 = vector.broadcast %mul3A_107 : f32 to vector<51x19x256xf32>
    %mul3A_109 = arith.mulf %mul3A_108, %sub3A_104 : vector<51x19x256xf32>
    %mul3A_110 = arith.mulf %mul3A_109, %sub3A_104 : vector<51x19x256xf32>
    %abs3A_111 = math.absf %sub3A_104 : vector<51x19x256xf32>
    %sub3A_112 = arith.constant 5.000000e-01 : f32
    %sub3A_113 = vector.broadcast %sub3A_112 : f32 to vector<51x19x256xf32>
    %sub3A_114 = arith.subf %abs3A_111, %sub3A_113 : vector<51x19x256xf32>
    %select_n3A = arith.select %lt3A_106, %mul3A_110, %sub3A_114 : vector<51x19x256xi1>, vector<51x19x256xf32>
    %reduce_sum3A_115 = arith.constant dense<0.000000e+00> : vector<19x256xf32>
    %reduce_sum3A_116 = vector.multi_reduction <add>, %select_n3A, %reduce_sum3A_115 [0] : vector<51x19x256xf32> to vector<19x256xf32>
    %reduce_sum3A_117 = arith.constant dense<0.000000e+00> : vector<19xf32>
    %reduce_sum3A_118 = vector.multi_reduction <add>, %reduce_sum3A_116, %reduce_sum3A_117 [1] : vector<19x256xf32> to vector<19xf32>
    %broadcast_in_dim3A_119 = vector.shape_cast %reduce_sum3A_118 : vector<19xf32> to vector<19x1xf32>
    %iota3A_120 = tpu.iota {dimensions = array<i32: 0>} : vector<19x1xi32>
    %gt3A = arith.constant 0.000000e+00 : f32
    %gt3A_121 = vector.broadcast %gt3A : f32 to vector<19x1xf32>
    %gt3A_122 = arith.cmpf ogt, %slice3A_26, %gt3A_121 : vector<19x1xf32>
    %gt3A_123 = arith.constant 0 : i32
    %gt3A_124 = vector.broadcast %gt3A_123 : i32 to vector<19x1xi32>
    %gt3A_125 = arith.cmpi sgt, %iota3A_120, %gt3A_124 : vector<19x1xi32>
    %and3A = arith.andi %gt3A_122, %gt3A_125 : vector<19x1xi1>
    %jit3A = arith.constant 0.000000e+00 : f64
    %convert_element_type3A_126 = arith.truncf %jit3A : f64 to f32
    %broadcast_in_dim3A_127 = vector.broadcast %convert_element_type3A_126 : f32 to vector<19x1xf32>
    %select_n3A_128 = arith.select %and3A, %broadcast_in_dim3A_119, %broadcast_in_dim3A_127 : vector<19x1xi1>, vector<19x1xf32>
    %reduce_sum3A_129 = vector.shape_cast %select_n3A_128 : vector<19x1xf32> to vector<1x19x1xf32>
    %reduce_sum3A_130 = arith.constant dense<0.000000e+00> : vector<1xf32>
    %reduce_sum3A_131 = vector.multi_reduction <add>, %reduce_sum3A_129, %reduce_sum3A_130 [1, 2] : vector<1x19x1xf32> to vector<1xf32>
    %reduce_sum3A_132 = vector.shape_cast %reduce_sum3A_131 : vector<1xf32> to vector<1x1x1xf32>
    %reduce_sum3A_133 = vector.extract %reduce_sum3A_132[0, 0, 0] : f32 from vector<1x1x1xf32>
    %mul3A_134 = arith.constant 7.65931399E-5 : f32
    %mul3A_135 = arith.mulf %reduce_sum3A_133, %mul3A_134 : f32
    %swap3A = arith.constant 0 : index
    %swap3A_136 = arith.constant 0 : index
    %swap3A_137 = memref.load %arg7[%swap3A, %swap3A_136] : memref<1x1xf32, #tpu.memory_space<smem>>
    memref.store %mul3A_135, %arg7[%swap3A, %swap3A_136] : memref<1x1xf32, #tpu.memory_space<smem>>
    return
  }
}

</mosaic_0001>

<sc_bundles>
// kernel: kernel.4.cloned.1.call-start
scs
__scs_entry_jumppad:
0x0: {  	(pc) =	sbr.rel $0x88, $3  }
0x1: {  	(tag) =	ssettag $0x0;
	lr =	simm.s32 $0x1  }
0x2: {  	[smem:$0x3F9F] =	sst lr;
	_ =	strace $0xD0000000  }
0x3: {  	_ = 	snop  }
0x4: {  	_ = 	snop  }
0x5: {  	_ = 	snop  }
0x6: {  	_ = 	snop  }
0x7: {  	_ = 	snop  }
__scs_overlays_trampoline_lowered:
0x8: {  	[smem:$0x3FAE] =	sst s0  }
0x9: {  	[smem:$0x3FAF] =	sst s1  }
0xa: {  	[smem:$0x3FB0] =	sst s2  }
0xb: {  	[smem:$0x3FB1] =	sst s3  }
0xc: {  	[smem:$0x3FB2] =	sst s4  }
0xd: {  	[smem:$0x3FB3] =	sst s5  }
0xe: {  	[smem:$0x3FB4] =	sst s6  }
0xf: {  	[smem:$0x3FB5] =	sst s7  }
0x10: {  	[smem:$0x3FB6] =	sst s8  }
0x11: {  	[smem:$0x3FB7] =	sst s9;
	s0 =	simm.s32 @!p0 $0x0  }
0x12: {  	s1 =	sld [smem:$0x3F9D];
	s0 =	simm.s32 @p0 $0x1  }
0x13: {  	[smem:$0x3FB8] =	sst s0;
	s0 =	simm.s32 @!p1 $0x0  }
0x14: {  	s2 =	sld [smem:$0x3F9C];
	s0 =	simm.s32 @p1 $0x1  }
0x15: {  	[smem:$0x3FB9] =	sst s0;
	s0 =	simm.s32 @!p2 $0x0  }
0x16: {  	s3 =	sld [smem:$0x3FDB];
	s0 =	simm.s32 @p2 $0x1  }
0x17: {  	s4 =	simm.s32 $0x1BF5;
	[smem:$0x3FBB] =	sst s0  }
0x18: {  	s0 =	sld [smem:$0x3F9E];
	_ =	swait.ge [sflag:s4], $0x0  }
0x19: {  	s7 =	sld [smem:$0x3F9F]  }
0x1a: {  	s8 =	sadd.s32 $0xFFFFE003, lr  }
0x1b: {  	s9 =	sadd.s32 $0xFFFFFEF7, lr;
	s5 =	simm.s32 $0xFFFFFFFF;
	p2 =	slt.u32 s8, $0xFFFFF086  }
0x1c: {  	p1 =	slt.u32 s9, $0xF7A;
	s5 =	simm.s32 @!p2 $0x0  }
0x1d: {  	s5 =	simm.s32 @p1 $0x1;
	p0 =	seq.s32 s7, s2  }
0x1e: {  	s7 =	smul.u32 @!p0 $0xF7A, s2;
	p2 =	seq.s32 @!p0 s5, $0x0  }
0x1f: {  	s9 =	smul.u32 $0xF7A, s1;
	s8 =	simm.s32 @!p0 $0x1BF5;
	p2 =	por !p2, p0  }
0x20: {  	[sflag:s8] =	ssyncset.s32 @!p0 $0xFFFFF086;
	s6 =	sadd.s32 @!p0 s3, s7;
	s7 =	simm.s32 @!p0 $0x108  }
0x21: {  	s3 =	sadd.s32 s3, s9;
	s6 =	sadd.s32 @!p0 $0x88, s6;
	s7 =	simm.s32 @p2 $0x1082  }
0x22: {  	[simem:s7], [sflag:s8] =	dma.local @!p0 [hbm:s6], $0xF7A  }
0x23: {  	s9 =	sor.u32 $0xD0000000, s2;
	s6 =	simm.s32 $0x108;
	_ =	swait.ge @!p0 [sflag:s8], $0x0  }
0x24: {  	s3 =	sadd.s32 $0x88, s3;
	s6 =	simm.s32 @!p1 $0x1082;
	[sflag:s4] =	ssyncset.s32 $0xFFFFF086  }
0x25: {  	[simem:s6], [sflag:s4] =	dma.local [hbm:s3], $0xF7A  }
0x26: {  	[smem:$0x3F9F] =	sst s1;
	(tag) =	ssettag s2;
	_ =	strace s9  }
0x27: {  	s1 =	sld [smem:$0x3FAF]  }
0x28: {  	s2 =	sld [smem:$0x3FB0]  }
0x29: {  	s4 =	sld [smem:$0x3FB2]  }
0x2a: {  	p0 =	seq.s32 s5, $0x0;
	s5 =	sld [smem:$0x3FB3]  }
0x2b: {  	s6 =	sld [smem:$0x3FB4]  }
0x2c: {  	s7 =	sld [smem:$0x3FB5]  }
0x2d: {  	s3 =	simm.s32 $0x108;
	s8 =	sld [smem:$0x3FB6]  }
0x2e: {  	s3 =	simm.s32 @!p0 $0x1082;
	s9 =	sld [smem:$0x3FB7]  }
0x2f: {  	lr =	sadd.s32 s0, s3;
	s0 =	sld [smem:$0x3FAE]  }
0x30: {  	s3 =	sld [smem:$0x3FB1]  }
0x31: {  	[smem:$0x3FBA] =	sst s10  }
0x32: {  	s10 =	sld [smem:$0x3FB8];
	_ =	sdelay $0x3  }
0x33: {  	p0 =	seq.s32 s10, $0x1;
	s10 =	sld [smem:$0x3FBA];
	_ =	sdelay $0x3  }
0x34: {  	[smem:$0x3FBA] =	sst s10  }
0x35: {  	s10 =	sld [smem:$0x3FB9];
	_ =	sdelay $0x3  }
0x36: {  	p1 =	seq.s32 s10, $0x1;
	s10 =	sld [smem:$0x3FBA];
	_ =	sdelay $0x3  }
0x37: {  	[smem:$0x3FBA] =	sst s10  }
0x38: {  	s10 =	sld [smem:$0x3FBB]  }
0x39: {  	_ = 	snop;
	(pc) =	sbr.ind lr, $3  }
0x3a: {  	_ = 	snop  }
0x3b: {  	_ = 	snop  }
0x3c: {  	p2 =	seq.s32 s10, $0x1;
	s10 =	sld [smem:$0x3FBA]  }
0x3d: {  	_ =	shalt  }
0x3e: {  	_ =	shalt  }
0x3f: {  	_ =	shalt  }
0x40: {  	_ =	shalt  }
0x41: {  	_ =	shalt  }
0x42: {  	_ =	shalt  }
0x43: {  	_ =	shalt  }
0x44: {  	_ =	shalt  }
0x45: {  	_ =	shalt  }
0x46: {  	_ =	shalt  }
0x47: {  	_ =	shalt  }
0x48: {  	_ =	shalt  }
0x49: {  	_ =	shalt  }
0x4a: {  	_ =	shalt  }
0x4b: {  	_ =	shalt  }
0x4c: {  	_ =	shalt  }
0x4d: {  	_ =	shalt  }
0x4e: {  	_ =	shalt  }
0x4f: {  	_ =	shalt  }
0x50: {  	_ =	shalt  }
0x51: {  	_ =	shalt  }
0x52: {  	_ =	shalt  }
0x53: {  	_ =	shalt  }
0x54: {  	_ =	shalt  }
0x55: {  	_ =	shalt  }
0x56: {  	_ =	shalt  }
0x57: {  	_ =	shalt  }
0x58: {  	_ =	shalt  }
0x59: {  	_ =	shalt  }
0x5a: {  	_ =	shalt  }
0x5b: {  	_ =	shalt  }
0x5c: {  	_ =	shalt  }
0x5d: {  	_ =	shalt  }
0x5e: {  	_ =	shalt  }
0x5f: {  	_ =	shalt  }
0x60: {  	_ =	shalt  }
0x61: {  	_ =	shalt  }
0x62: {  	_ =	shalt  }
0x63: {  	_ =	shalt  }
0x64: {  	_ =	shalt  }
0x65: {  	_ =	shalt  }
0x66: {  	_ =	shalt  }
0x67: {  	_ =	shalt  }
0x68: {  	_ =	shalt  }
0x69: {  	_ =	shalt  }
0x6a: {  	_ =	shalt  }
0x6b: {  	_ =	shalt  }
0x6c: {  	_ =	shalt  }
0x6d: {  	_ =	shalt  }
0x6e: {  	_ =	shalt  }
0x6f: {  	_ =	shalt  }
0x70: {  	_ =	shalt  }
0x71: {  	_ =	shalt  }
0x72: {  	_ =	shalt  }
0x73: {  	_ =	shalt  }
0x74: {  	_ =	shalt  }
0x75: {  	_ =	shalt  }
0x76: {  	_ =	shalt  }
0x77: {  	_ =	shalt  }
0x78: {  	_ =	shalt  }
0x79: {  	_ =	shalt  }
0x7a: {  	_ =	shalt  }
0x7b: {  	_ =	shalt  }
0x7c: {  	_ =	shalt  }
0x7d: {  	_ =	shalt  }
0x7e: {  	_ =	shalt  }
0x7f: {  	_ =	shalt  }
0x80: {  	_ =	shalt  }
0x81: {  	_ =	shalt  }
0x82: {  	_ =	shalt  }
0x83: {  	_ =	shalt  }
0x84: {  	_ =	shalt  }
0x85: {  	_ =	shalt  }
0x86: {  	_ =	shalt  }
0x87: {  	_ =	shalt  }
.Lfunc_end0:
.L_simem_size_0:
called_computation_lowered:
.L_overlay_start_0:
0x88: {  	s2 =	sld [smem:$0x3FD9]  }
0x89: {  	s3 =	sld [smem:$0x3FFE];
	_ =	sdelay $0x1  }
0x8a: {  	s1 =	srdreg.scid  }
0x8b: {  	s0 =	sand.u32 $0x1, s1  }
0x8c: {  	s17 =	sshll.u32 s0, $0xA;
	s2 =	sadd.s32 s3, s2  }
0x8d: {  	s2 =	sadd.s32 s2, s17  }
0x8e: {  	[smem:$0x3FC6] =	sst s2  }
0x8f: {  	_ = 	snop  }
0x90: {  	s2 =	sld [smem:$0x3FC9];
	(tm) =	ssettm $0x1  }
0x91: {  	s18 =	sld [smem:$0x3FFB];
	_ =	sdelay $0x3  }
0x92: {  	_ =	strace s18  }
0x93: {  	s3 =	sld [smem:$0x3FFC];
	_ =	sdelay $0x3  }
0x94: {  	_ =	strace s3  }
0x95: {  	s3 =	sld [smem:$0x3FFD];
	_ =	sdelay $0x3  }
0x96: {  	_ =	strace s3  }
0x97: {  	_ =	strace $0x8FFFFFFF  }
0x98: {  	s19 =	sld [smem:$0x3FDB];
	_ =	sdelay $0x1  }
0x99: {  	s4 =	simm.s32 $_scs_section_size  }
0x9a: {  	s5 =	simm.s32 $_size__tile_overlayer_lowered;
	s6 =	simm.s32 $_tile_overlayer_lowered  }
0x9b: {  	s22 =	simm.s32 $0x1BFF;
	s21 =	sshll.u32 s6, $0x1;
	s3 =	sadd.s32 s4, s19  }
0x9c: {  	s7 =	simm.s32 $0x0;
	s20 =	sshll.u32 s5, $0x1;
	s5 =	sadd.s32 s21, s3  }
0x9d: {  	[timem:s7], [sflag:s22] =	dma.local [hbm:s5], s20  }
0x9e: {  	_ =	swait.ge [sflag:s22], s20  }
0x9f: {  	s4 =	ssub.s32 $0x0, s20;
	[sflag:s22] =	ssyncset.done $0x0  }
0xa0: {  	[sflag:s22] =	ssyncadd.s32 s4;
	_ =	sdelay $0x1  }
0xa1: {  	s23 =	simm.s32 $0x1B8B  }
0xa2: {  	_ =	swait.ge [sflag:s23], $0x1  }
0xa3: {  	[sflag:s23] =	ssyncset.done $0x0  }
0xa4: {  	s25 =	simm.s32 $0x1B8E;
	s24 =	sld [smem:$0x3FFE];
	[sflag:s23] =	ssyncadd.s32 $0xFFFFFFFF  }
0xa5: {  	s26 =	simm.s32 $execute0_lowered;
	[smem:$0x3FD2] =	sst s25  }
0xa6: {  	s5 =	sshll.u32 s26, $0x1;
	_ =	strace $0x80000046;
	[dreg:$0x1] =	wrdreg $0xFFFFFFFF  }
0xa7: {  	s28 =	simm.s32 $_size_execute0_lowered;
	s3 =	sadd.s32 s3, s5;
	[dreg:$0x0] =	wrdreg $0x0  }
0xa8: {  	s5 =	sshll.u32 s28, $0x1;
	[dreg:$0x2] =	wrdreg s3  }
0xa9: {  	[dreg:$0x3] =	wrdreg s5  }
0xaa: {  	[dreg:$0x4] =	wrdreg $0xC0  }
0xab: {  	_ =	task [dreg:s7], $0x5FFFF  }
0xac: {  	[dreg:$0x1] =	wrdreg $0xFFFFFFFF  }
0xad: {  	[dreg:$0x0] =	wrdreg $0x60  }
0xae: {  	[dreg:$0x2] =	wrdreg s2  }
0xaf: {  	[dreg:$0x3] =	wrdreg s24  }
0xb0: {  	[dreg:$0x4] =	wrdreg $0x9  }
0xb1: {  	_ =	task.clear_ibuf [dreg:s7], $0x5FFFF;
	_ =	strace $0x90000046  }
0xb2: {  	s29 =	simm.s32 $0x9;
	_ =	strace $0x80000048  }
0xb3: {  	_ =	swait.ge [sflag:s29], $0x1  }
0xb4: {  	[sflag:s29] =	ssyncadd.s32 $0xFFFFFFFF  }
0xb5: {  	_ =	strace $0x90000048  }
0xb6: {  	_ =	sfence  }
0xb7: {  	s30 =	sld [smem:$0x0];
	_ =	sdelay $0x2  }
0xb8: {  	s31 =	sshll.u32 s1, $0xD;
	s1 =	sshrl.u32 s1, $0x2  }
0xb9: {  	s3 =	sand.u32 $0x4000, s31;
	s1 =	sadd.s32 s1, s30  }
0xba: {  	s0 =	sor.u32 s3, s0;
	s1 =	sshll.u32 s1, $0x11  }
0xbb: {  	s0 =	sor.u32 s1, s0  }
0xbc: {  	s0 =	sadd.s32 $0x8F2B, s0  }
0xbd: {  	[sflag:s0] =	ssyncadd.remote.s32 $0x1  }
0xbe: {  	_ =	sfence.sel $0xFFFF  }
0xbf: {  	[dreg:$0x0] =	wrdreg $0xFFFFFFFF;
	(pc) =	sbr.abs _section_cstart, $3  }
0xc0: {  	[dreg:$0x1] =	wrdreg $0xFFFFFFFF  }
0xc1: {  	_ =	task.clear_ibuf [dreg:s7], $0x2FFFF;
	_ =	strace $0x9FFFFFFF  }
0xc2: {  	(tm) =	ssettm $0x7FFFFFFF  }
0xc3: {  	_ =	shalt  }
tec
execute0_lowered:
.L_overlay_start_1:
0x0: {  	(tag) =	ssettag $0x1  }
0x1: {  	s0 =	srdreg.scid;
	s6 =	rddreg [dreg:$0x0]  }
0x2: {  	s5 =	rddreg [dreg:$0x1];
	s1 =	stileid.u32;
	s2 =	simm.s32 $0x0  }
0x3: {  	s13 =	simm.s32 $0x2080;
	s14 =	simm.s32 $0x3880;
	s15 =	simm.s32 $0x5080  }
0x4: {  	s16 =	simm.s32 $0x0;
	s4 =	sand.u32 $0x1, s0;
	[smem:$0x7FF] =	sst s2  }
0x5: {  	s0 =	rddreg [dreg:$0x2];
	s3 =	sshll.u32 s4, $0x4;
	_ =	strace $0x80000047  }
0x6: {  	s11 =	ssub.s32 $0x2, s4;
	s4 =	sadd.s32 $0x1800, s5;
	s7 =	sor.u32 s1, s3  }
0x7: {  	v0 =	vlaneseq.u32;
	v1 =	vimm.f32 $1.000000000e+00;
	s12 =	sshrl.u32 s11, $0x1;
	s3 =	sshll.u32 s7, $0x2;
	s9 =	smul.u32 $0x300, s7  }
0x8: {  	v2 =	vor.u32 $0x10, v0;
	v3 =	vor.u32 $0x20, v0;
	v4 =	vor.u32 $0x30, v0;
	s10 =	smul.u32 $0x180, s7;
	s11 =	ssub.s32 s11, s12;
	s7 =	sshll.u32 s7, $0xA  }
0x9: {  	v5 =	vor.u32 $0x40, v0;
	v6 =	vor.u32 $0x50, v0;
	v7 =	vor.u32 $0x60, v0;
	s12 =	simm.s32 $0x80;
	s8 =	sadd.s32 s3, s5;
	s3 =	sadd.s32 $0x1400, s5  }
0xa: {  	v8 =	vor.u32 $0x70, v0;
	v9 =	vor.u32 $0x400, v0;
	v10 =	vor.u32 $0x410, v0;
	s6 =	sadd.s32 s6, s7;
	s9 =	sadd.s32 s9, s5;
	s10 =	sadd.s32 s10, s5  }
0xb: {  	v11 =	vor.u32 $0x420, v0;
	v12 =	vor.u32 $0x430, v0;
	v13 =	vor.u32 $0x440, v0;
	s5 =	sadd.s32 $0x1200, s8;
	s7 =	sadd.s32 $0x1A00, s9;
	s8 =	sadd.s32 $0x7A00, s9  }
0xc: {  	v14 =	vor.u32 $0x450, v0;
	v15 =	vor.u32 $0x460, v0;
	v16 =	vor.u32 $0x470, v0;
	s9 =	sadd.s32 $0xDA00, s10;
	s10 =	smax.u32 s11, $0x1;
	s11 =	simm.s32 $0x1  }
.LBB2_1:
0xd: {  	[tilespmem:s2], [sflag:$0x1] =	stream.linear.gather [hbm4b:s5+s2], $0x20, $0x38;
	[tilespmem:$0x5C80] =	vst v63  }
0xe: {  	_ =	swait.ge [sflag:s11], $0x20  }
0xf: {  	[sflag:s11] =	ssyncset.done $0x0  }
0x10: {  	[sflag:s11] =	ssyncadd.s32 $0xFFFFFFE0  }
0x11: {  	[tilespmem:s12], [sflag:$0x1] =	stream.linear.gather [hbm4b:s6+s2], $0x2000, $0x38;
	[tilespmem:$0x5C80] =	vst v63  }
0x12: {  	_ =	swait.ge [sflag:s11], $0x2000  }
0x13: {  	[sflag:s11] =	ssyncset.done $0x0  }
0x14: {  	[sflag:s11] =	ssyncadd.s32 $0xFFFFE000  }
0x15: {  	[tilespmem:s13], [sflag:$0x1] =	stream.linear.gather [hbm4b:s3+s2], $0x1800, $0x38;
	[tilespmem:$0x5C80] =	vst v63  }
0x16: {  	_ =	swait.ge [sflag:s11], $0x1800  }
0x17: {  	[sflag:s11] =	ssyncset.done $0x0  }
0x18: {  	[sflag:s11] =	ssyncadd.s32 $0xFFFFE800  }
0x19: {  	[tilespmem:s14], [sflag:$0x1] =	stream.linear.gather [hbm4b:s3+s2], $0x1800, $0x38;
	[tilespmem:$0x5C80] =	vst v63  }
0x1a: {  	_ =	swait.ge [sflag:s11], $0x1800  }
0x1b: {  	[sflag:s11] =	ssyncset.done $0x0  }
0x1c: {  	v17 =	vmov s2;
	[sflag:s11] =	ssyncadd.s32 $0xFFFFE800  }
0x1d: {  	[tilespmem:s15], [sflag:$0x1] =	stream.linear.gather [hbm4b:s4+s2], $0xC00, $0x38;
	[tilespmem:$0x5C80] =	vst v63  }
0x1e: {  	_ =	swait.ge [sflag:s11], $0xC00  }
0x1f: {  	[sflag:s11] =	ssyncset.done $0x0  }
0x20: {  	[sflag:s11] =	ssyncadd.s32 $0xFFFFF400  }
0x21: {  	v17 =	vld.idx.msk [tilespmem:v17+s2+$0x0], $0xffff;
	_ =	sdelay $0x4  }
0x22: {  	v18 =	vshll.u32 v17, $0x7  }
0x23: {  	v19 =	vor.u32 v0, v18;
	_ =	sdelay $0x3  }
0x24: {  	s17 =	sand.u32 $0x1800, s2;
	s18 =	sand.u32 $0x380, s2;
	v17 =	vshll.u32 v17, $0x8  }
0x25: {  	s17 =	sor.u32 s18, s17;
	v17 =	vand.u32 $0xFFFFF800, v17;
	v18 =	vand.u32 $0x380, v18;
	[tilespmem:v19+s15+$0x0] =	vst.idx.add.f32.msk $0xffff, v1  }
0x26: {  	v17 =	vor.u32 v18, v17;
	v18 =	vld [tilespmem:s17+$0x80]  }
0x27: {  	v19 =	vor.u32 v0, v17;
	_ =	sdelay $0x3  }
0x28: {  	v20 =	vmul.f32 v18, v18  }
0x29: {  	[tilespmem:v19+s13+$0x0] =	vst.idx.add.f32.msk $0xffff, v18  }
0x2a: {  	[tilespmem:v19+s14+$0x0] =	vst.idx.add.f32.msk $0xffff, v20  }
0x2b: {  	v18 =	vld [tilespmem:s17+$0x90]  }
0x2c: {  	v19 =	vor.u32 v2, v17;
	_ =	sdelay $0x3  }
0x2d: {  	v20 =	vmul.f32 v18, v18  }
0x2e: {  	[tilespmem:v19+s13+$0x0] =	vst.idx.add.f32.msk $0xffff, v18  }
0x2f: {  	[tilespmem:v19+s14+$0x0] =	vst.idx.add.f32.msk $0xffff, v20  }
0x30: {  	v18 =	vld [tilespmem:s17+$0xA0]  }
0x31: {  	v19 =	vor.u32 v3, v17;
	_ =	sdelay $0x3  }
0x32: {  	v20 =	vmul.f32 v18, v18  }
0x33: {  	[tilespmem:v19+s13+$0x0] =	vst.idx.add.f32.msk $0xffff, v18  }
0x34: {  	[tilespmem:v19+s14+$0x0] =	vst.idx.add.f32.msk $0xffff, v20  }
0x35: {  	v18 =	vld [tilespmem:s17+$0xB0]  }
0x36: {  	v19 =	vor.u32 v4, v17;
	_ =	sdelay $0x3  }
0x37: {  	v20 =	vmul.f32 v18, v18  }
0x38: {  	[tilespmem:v19+s13+$0x0] =	vst.idx.add.f32.msk $0xffff, v18  }
0x39: {  	[tilespmem:v19+s14+$0x0] =	vst.idx.add.f32.msk $0xffff, v20  }
0x3a: {  	v18 =	vld [tilespmem:s17+$0xC0]  }
0x3b: {  	v19 =	vor.u32 v5, v17;
	_ =	sdelay $0x3  }
0x3c: {  	v20 =	vmul.f32 v18, v18  }
0x3d: {  	[tilespmem:v19+s13+$0x0] =	vst.idx.add.f32.msk $0xffff, v18  }
0x3e: {  	[tilespmem:v19+s14+$0x0] =	vst.idx.add.f32.msk $0xffff, v20  }
0x3f: {  	v18 =	vld [tilespmem:s17+$0xD0]  }
0x40: {  	v19 =	vor.u32 v6, v17;
	_ =	sdelay $0x3  }
0x41: {  	v20 =	vmul.f32 v18, v18  }
0x42: {  	[tilespmem:v19+s13+$0x0] =	vst.idx.add.f32.msk $0xffff, v18  }
0x43: {  	[tilespmem:v19+s14+$0x0] =	vst.idx.add.f32.msk $0xffff, v20  }
0x44: {  	v18 =	vld [tilespmem:s17+$0xE0]  }
0x45: {  	v19 =	vor.u32 v7, v17;
	_ =	sdelay $0x3  }
0x46: {  	v20 =	vmul.f32 v18, v18  }
0x47: {  	[tilespmem:v19+s13+$0x0] =	vst.idx.add.f32.msk $0xffff, v18  }
0x48: {  	[tilespmem:v19+s14+$0x0] =	vst.idx.add.f32.msk $0xffff, v20  }
0x49: {  	v18 =	vld [tilespmem:s17+$0xF0]  }
0x4a: {  	v19 =	vor.u32 v8, v17;
	_ =	sdelay $0x3  }
0x4b: {  	v20 =	vmul.f32 v18, v18  }
0x4c: {  	[tilespmem:v19+s13+$0x0] =	vst.idx.add.f32.msk $0xffff, v18  }
0x4d: {  	[tilespmem:v19+s14+$0x0] =	vst.idx.add.f32.msk $0xffff, v20  }
0x4e: {  	v18 =	vld [tilespmem:s17+$0x480]  }
0x4f: {  	v19 =	vor.u32 v9, v17;
	_ =	sdelay $0x3  }
0x50: {  	v20 =	vmul.f32 v18, v18  }
0x51: {  	[tilespmem:v19+s13+$0x0] =	vst.idx.add.f32.msk $0xffff, v18  }
0x52: {  	[tilespmem:v19+s14+$0x0] =	vst.idx.add.f32.msk $0xffff, v20  }
0x53: {  	v18 =	vld [tilespmem:s17+$0x490]  }
0x54: {  	v19 =	vor.u32 v10, v17;
	_ =	sdelay $0x3  }
0x55: {  	v20 =	vmul.f32 v18, v18  }
0x56: {  	[tilespmem:v19+s13+$0x0] =	vst.idx.add.f32.msk $0xffff, v18  }
0x57: {  	[tilespmem:v19+s14+$0x0] =	vst.idx.add.f32.msk $0xffff, v20  }
0x58: {  	v18 =	vld [tilespmem:s17+$0x4A0]  }
0x59: {  	v19 =	vor.u32 v11, v17;
	_ =	sdelay $0x3  }
0x5a: {  	v20 =	vmul.f32 v18, v18  }
0x5b: {  	[tilespmem:v19+s13+$0x0] =	vst.idx.add.f32.msk $0xffff, v18  }
0x5c: {  	[tilespmem:v19+s14+$0x0] =	vst.idx.add.f32.msk $0xffff, v20  }
0x5d: {  	v18 =	vld [tilespmem:s17+$0x4B0]  }
0x5e: {  	v19 =	vor.u32 v12, v17;
	_ =	sdelay $0x3  }
0x5f: {  	v20 =	vmul.f32 v18, v18  }
0x60: {  	[tilespmem:v19+s13+$0x0] =	vst.idx.add.f32.msk $0xffff, v18  }
0x61: {  	[tilespmem:v19+s14+$0x0] =	vst.idx.add.f32.msk $0xffff, v20  }
0x62: {  	v18 =	vld [tilespmem:s17+$0x4C0]  }
0x63: {  	v19 =	vor.u32 v13, v17;
	_ =	sdelay $0x3  }
0x64: {  	v20 =	vmul.f32 v18, v18  }
0x65: {  	[tilespmem:v19+s13+$0x0] =	vst.idx.add.f32.msk $0xffff, v18  }
0x66: {  	[tilespmem:v19+s14+$0x0] =	vst.idx.add.f32.msk $0xffff, v20  }
0x67: {  	v18 =	vld [tilespmem:s17+$0x4D0]  }
0x68: {  	v19 =	vor.u32 v14, v17;
	_ =	sdelay $0x3  }
0x69: {  	v20 =	vmul.f32 v18, v18  }
0x6a: {  	[tilespmem:v19+s13+$0x0] =	vst.idx.add.f32.msk $0xffff, v18  }
0x6b: {  	[tilespmem:v19+s14+$0x0] =	vst.idx.add.f32.msk $0xffff, v20  }
0x6c: {  	v18 =	vld [tilespmem:s17+$0x4E0]  }
0x6d: {  	v19 =	vor.u32 v15, v17;
	_ =	sdelay $0x3  }
0x6e: {  	v20 =	vmul.f32 v18, v18  }
0x6f: {  	[tilespmem:v19+s13+$0x0] =	vst.idx.add.f32.msk $0xffff, v18  }
0x70: {  	[tilespmem:v19+s14+$0x0] =	vst.idx.add.f32.msk $0xffff, v20  }
0x71: {  	v18 =	vor.u32 v16, v17;
	v19 =	vld [tilespmem:s17+$0x4F0];
	_ =	sdelay $0x1  }
0x72: {  	s31 =	simm.s32 $0x1  }
0x73: {  	v17 =	vmov s31;
	_ =	sdelay $0x1  }
0x74: {  	s21 =	simm.s32 $0x2;
	s18 =	simm.s32 $0x0;
	s17 =	simm.s32 $0x0;
	[tilespmem:v18+s13+$0x0] =	vst.idx.add.f32.msk $0xffff, v19;
	v19 =	vmul.f32 v19, v19  }
.LBB2_2:
0x75: {  	s17 =	sadd.s32 $0x80, s17  }
0x76: {  	s18 =	sadd.s32 $0x100, s18;
	s20 =	smov.u32 s21;
	s19 =	sadd.s32 $0x1, s21;
	[tilespmem:v18+s14+$0x0] =	vst.idx.add.f32.msk $0xffff, v19  }
0x77: {  	p0 =	sne.s32 s21, $0x1F;
	v17 =	vld.idx.msk [tilespmem:v17+s2+$0x0], $0xffff;
	_ =	sdelay $0x5  }
0x78: {  	v18 =	vshll.u32 v17, $0x7;
	v17 =	vshll.u32 v17, $0x8  }
0x79: {  	v19 =	vor.u32 v0, v18;
	v17 =	vand.u32 $0xFFFFF800, v17;
	v18 =	vand.u32 $0x380, v18  }
0x7a: {  	v17 =	vor.u32 v18, v17;
	_ =	sdelay $0x2  }
0x7b: {  	s21 =	sand.u32 $0x1800, s18;
	s22 =	sand.u32 $0x380, s17  }
0x7c: {  	s21 =	sor.u32 s22, s21;
	[tilespmem:v19+s15+$0x0] =	vst.idx.add.f32.msk $0xffff, v1  }
0x7d: {  	v18 =	vld [tilespmem:s21+$0x80]  }
0x7e: {  	v19 =	vor.u32 v0, v17;
	_ =	sdelay $0x3  }
0x7f: {  	v20 =	vmul.f32 v18, v18  }
0x80: {  	[tilespmem:v19+s13+$0x0] =	vst.idx.add.f32.msk $0xffff, v18  }
0x81: {  	[tilespmem:v19+s14+$0x0] =	vst.idx.add.f32.msk $0xffff, v20  }
0x82: {  	v18 =	vld [tilespmem:s21+$0x90]  }
0x83: {  	v19 =	vor.u32 v2, v17;
	_ =	sdelay $0x3  }
0x84: {  	v20 =	vmul.f32 v18, v18  }
0x85: {  	[tilespmem:v19+s13+$0x0] =	vst.idx.add.f32.msk $0xffff, v18  }
0x86: {  	[tilespmem:v19+s14+$0x0] =	vst.idx.add.f32.msk $0xffff, v20  }
0x87: {  	v18 =	vld [tilespmem:s21+$0xA0]  }
0x88: {  	v19 =	vor.u32 v3, v17;
	_ =	sdelay $0x3  }
0x89: {  	v20 =	vmul.f32 v18, v18  }
0x8a: {  	[tilespmem:v19+s13+$0x0] =	vst.idx.add.f32.msk $0xffff, v18  }
0x8b: {  	[tilespmem:v19+s14+$0x0] =	vst.idx.add.f32.msk $0xffff, v20  }
0x8c: {  	v18 =	vld [tilespmem:s21+$0xB0]  }
0x8d: {  	v19 =	vor.u32 v4, v17;
	_ =	sdelay $0x3  }
0x8e: {  	v20 =	vmul.f32 v18, v18  }
0x8f: {  	[tilespmem:v19+s13+$0x0] =	vst.idx.add.f32.msk $0xffff, v18  }
0x90: {  	[tilespmem:v19+s14+$0x0] =	vst.idx.add.f32.msk $0xffff, v20  }
0x91: {  	v18 =	vld [tilespmem:s21+$0xC0]  }
0x92: {  	v19 =	vor.u32 v5, v17;
	_ =	sdelay $0x3  }
0x93: {  	v20 =	vmul.f32 v18, v18  }
0x94: {  	[tilespmem:v19+s13+$0x0] =	vst.idx.add.f32.msk $0xffff, v18  }
0x95: {  	[tilespmem:v19+s14+$0x0] =	vst.idx.add.f32.msk $0xffff, v20  }
0x96: {  	v18 =	vld [tilespmem:s21+$0xD0]  }
0x97: {  	v19 =	vor.u32 v6, v17;
	_ =	sdelay $0x3  }
0x98: {  	v20 =	vmul.f32 v18, v18  }
0x99: {  	[tilespmem:v19+s13+$0x0] =	vst.idx.add.f32.msk $0xffff, v18  }
0x9a: {  	[tilespmem:v19+s14+$0x0] =	vst.idx.add.f32.msk $0xffff, v20  }
0x9b: {  	v19 =	vor.u32 v7, v17;
	v18 =	vld [tilespmem:s21+$0xE0];
	_ =	sdelay $0x4  }
0x9c: {  	[tilespmem:v19+s13+$0x0] =	vst.idx.add.f32.msk $0xffff, v18;
	v18 =	vmul.f32 v18, v18;
	_ =	sdelay $0x1  }
0x9d: {  	[tilespmem:v19+s14+$0x0] =	vst.idx.add.f32.msk $0xffff, v18  }
0x9e: {  	v19 =	vor.u32 v8, v17;
	v18 =	vld [tilespmem:s21+$0xF0];
	_ =	sdelay $0x4  }
0x9f: {  	[tilespmem:v19+s13+$0x0] =	vst.idx.add.f32.msk $0xffff, v18;
	v18 =	vmul.f32 v18, v18;
	_ =	sdelay $0x1  }
0xa0: {  	[tilespmem:v19+s14+$0x0] =	vst.idx.add.f32.msk $0xffff, v18  }
0xa1: {  	v19 =	vor.u32 v9, v17;
	v18 =	vld [tilespmem:s21+$0x480];
	_ =	sdelay $0x4  }
0xa2: {  	[tilespmem:v19+s13+$0x0] =	vst.idx.add.f32.msk $0xffff, v18;
	v18 =	vmul.f32 v18, v18;
	_ =	sdelay $0x1  }
0xa3: {  	[tilespmem:v19+s14+$0x0] =	vst.idx.add.f32.msk $0xffff, v18  }
0xa4: {  	v19 =	vor.u32 v10, v17;
	v18 =	vld [tilespmem:s21+$0x490];
	_ =	sdelay $0x4  }
0xa5: {  	[tilespmem:v19+s13+$0x0] =	vst.idx.add.f32.msk $0xffff, v18;
	v18 =	vmul.f32 v18, v18;
	_ =	sdelay $0x1  }
0xa6: {  	[tilespmem:v19+s14+$0x0] =	vst.idx.add.f32.msk $0xffff, v18  }
0xa7: {  	v19 =	vor.u32 v11, v17;
	v18 =	vld [tilespmem:s21+$0x4A0];
	_ =	sdelay $0x4  }
0xa8: {  	[tilespmem:v19+s13+$0x0] =	vst.idx.add.f32.msk $0xffff, v18;
	v18 =	vmul.f32 v18, v18;
	_ =	sdelay $0x1  }
0xa9: {  	[tilespmem:v19+s14+$0x0] =	vst.idx.add.f32.msk $0xffff, v18  }
0xaa: {  	v19 =	vor.u32 v12, v17;
	v18 =	vld [tilespmem:s21+$0x4B0];
	_ =	sdelay $0x4  }
0xab: {  	[tilespmem:v19+s13+$0x0] =	vst.idx.add.f32.msk $0xffff, v18;
	v18 =	vmul.f32 v18, v18;
	_ =	sdelay $0x1  }
0xac: {  	[tilespmem:v19+s14+$0x0] =	vst.idx.add.f32.msk $0xffff, v18  }
0xad: {  	v19 =	vor.u32 v13, v17;
	v18 =	vld [tilespmem:s21+$0x4C0];
	_ =	sdelay $0x4  }
0xae: {  	[tilespmem:v19+s13+$0x0] =	vst.idx.add.f32.msk $0xffff, v18;
	v18 =	vmul.f32 v18, v18;
	_ =	sdelay $0x1  }
0xaf: {  	[tilespmem:v19+s14+$0x0] =	vst.idx.add.f32.msk $0xffff, v18  }
0xb0: {  	v19 =	vor.u32 v14, v17;
	v18 =	vld [tilespmem:s21+$0x4D0];
	_ =	sdelay $0x4  }
0xb1: {  	[tilespmem:v19+s13+$0x0] =	vst.idx.add.f32.msk $0xffff, v18;
	v18 =	vmul.f32 v18, v18;
	_ =	sdelay $0x1  }
0xb2: {  	[tilespmem:v19+s14+$0x0] =	vst.idx.add.f32.msk $0xffff, v18  }
0xb3: {  	v19 =	vor.u32 v15, v17;
	v18 =	vld [tilespmem:s21+$0x4E0];
	_ =	sdelay $0x4  }
0xb4: {  	[tilespmem:v19+s13+$0x0] =	vst.idx.add.f32.msk $0xffff, v18;
	v18 =	vmul.f32 v18, v18;
	_ =	sdelay $0x1  }
0xb5: {  	[tilespmem:v19+s14+$0x0] =	vst.idx.add.f32.msk $0xffff, v18  }
0xb6: {  	v18 =	vor.u32 v16, v17;
	v19 =	vld [tilespmem:s21+$0x4F0]  }
.Ltmp0:
0xb7: {  	(pc) =	sbr.rel @p0 .LBB2_2-.Ltmp0, $3  }
0xb8: {  	_ = 	snop  }
0xb9: {  	v17 =	vmov s20;
	_ =	sdelay $0x1  }
0xba: {  	s21 =	smov.u32 s19;
	[tilespmem:v18+s13+$0x0] =	vst.idx.add.f32.msk $0xffff, v19;
	v19 =	vmul.f32 v19, v19  }
0xbb: {  	_ =	sdelay $0x3  }
0xbc: {  	[tilespmem:v18+s14+$0x0] =	vst.idx.add.f32.msk $0xffff, v19  }
0xbd: {  	v17 =	vld.idx.msk [tilespmem:v17+s2+$0x0], $0xffff;
	_ =	sdelay $0x4  }
0xbe: {  	v18 =	vshll.u32 v17, $0x7  }
0xbf: {  	v19 =	vor.u32 v0, v18;
	_ =	sdelay $0x2  }
0xc0: {  	s17 =	sadd.s32 $0x80, s17;
	s18 =	sadd.s32 $0x100, s18  }
0xc1: {  	s18 =	sand.u32 $0x1800, s18;
	s17 =	sand.u32 $0x380, s17;
	v17 =	vshll.u32 v17, $0x8  }
0xc2: {  	s17 =	sor.u32 s17, s18;
	v17 =	vand.u32 $0xFFFFF800, v17;
	v18 =	vand.u32 $0x380, v18;
	[tilespmem:v19+s15+$0x0] =	vst.idx.add.f32.msk $0xffff, v1  }
0xc3: {  	v17 =	vor.u32 v18, v17;
	v18 =	vld [tilespmem:s17+$0x80]  }
0xc4: {  	v19 =	vor.u32 v0, v17;
	_ =	sdelay $0x3  }
0xc5: {  	v20 =	vmul.f32 v18, v18  }
0xc6: {  	[tilespmem:v19+s13+$0x0] =	vst.idx.add.f32.msk $0xffff, v18  }
0xc7: {  	[tilespmem:v19+s14+$0x0] =	vst.idx.add.f32.msk $0xffff, v20  }
0xc8: {  	v18 =	vld [tilespmem:s17+$0x90]  }
0xc9: {  	v19 =	vor.u32 v2, v17;
	_ =	sdelay $0x3  }
0xca: {  	v50 =	vmul.f32 v18, v18  }
0xcb: {  	[tilespmem:v19+s13+$0x0] =	vst.idx.add.f32.msk $0xffff, v18  }
0xcc: {  	[tilespmem:v19+s14+$0x0] =	vst.idx.add.f32.msk $0xffff, v50  }
0xcd: {  	v18 =	vld [tilespmem:s17+$0xA0]  }
0xce: {  	v19 =	vor.u32 v3, v17;
	_ =	sdelay $0x3  }
0xcf: {  	v51 =	vmul.f32 v18, v18  }
0xd0: {  	[tilespmem:v19+s13+$0x0] =	vst.idx.add.f32.msk $0xffff, v18  }
0xd1: {  	[tilespmem:v19+s14+$0x0] =	vst.idx.add.f32.msk $0xffff, v51  }
0xd2: {  	v18 =	vld [tilespmem:s17+$0xB0]  }
0xd3: {  	v19 =	vor.u32 v4, v17;
	_ =	sdelay $0x3  }
0xd4: {  	v52 =	vmul.f32 v18, v18  }
0xd5: {  	[tilespmem:v19+s13+$0x0] =	vst.idx.add.f32.msk $0xffff, v18  }
0xd6: {  	[tilespmem:v19+s14+$0x0] =	vst.idx.add.f32.msk $0xffff, v52  }
0xd7: {  	v18 =	vld [tilespmem:s17+$0xC0]  }
0xd8: {  	v19 =	vor.u32 v5, v17;
	_ =	sdelay $0x3  }
0xd9: {  	v53 =	vmul.f32 v18, v18  }
0xda: {  	[tilespmem:v19+s13+$0x0] =	vst.idx.add.f32.msk $0xffff, v18  }
0xdb: {  	[tilespmem:v19+s14+$0x0] =	vst.idx.add.f32.msk $0xffff, v53  }
0xdc: {  	v18 =	vld [tilespmem:s17+$0xD0]  }
0xdd: {  	v19 =	vor.u32 v6, v17;
	_ =	sdelay $0x3  }
0xde: {  	v54 =	vmul.f32 v18, v18  }
0xdf: {  	[tilespmem:v19+s13+$0x0] =	vst.idx.add.f32.msk $0xffff, v18  }
0xe0: {  	[tilespmem:v19+s14+$0x0] =	vst.idx.add.f32.msk $0xffff, v54  }
0xe1: {  	v18 =	vld [tilespmem:s17+$0xE0]  }
0xe2: {  	v19 =	vor.u32 v7, v17;
	_ =	sdelay $0x3  }
0xe3: {  	v55 =	vmul.f32 v18, v18  }
0xe4: {  	[tilespmem:v19+s13+$0x0] =	vst.idx.add.f32.msk $0xffff, v18  }
0xe5: {  	[tilespmem:v19+s14+$0x0] =	vst.idx.add.f32.msk $0xffff, v55  }
0xe6: {  	v18 =	vld [tilespmem:s17+$0xF0]  }
0xe7: {  	v19 =	vor.u32 v8, v17;
	_ =	sdelay $0x3  }
0xe8: {  	v56 =	vmul.f32 v18, v18  }
0xe9: {  	[tilespmem:v19+s13+$0x0] =	vst.idx.add.f32.msk $0xffff, v18  }
0xea: {  	[tilespmem:v19+s14+$0x0] =	vst.idx.add.f32.msk $0xffff, v56  }
0xeb: {  	v18 =	vld [tilespmem:s17+$0x480]  }
0xec: {  	v19 =	vor.u32 v9, v17;
	_ =	sdelay $0x3  }
0xed: {  	v57 =	vmul.f32 v18, v18  }
0xee: {  	[tilespmem:v19+s13+$0x0] =	vst.idx.add.f32.msk $0xffff, v18  }
0xef: {  	[tilespmem:v19+s14+$0x0] =	vst.idx.add.f32.msk $0xffff, v57  }
0xf0: {  	v18 =	vld [tilespmem:s17+$0x490]  }
0xf1: {  	v19 =	vor.u32 v10, v17;
	_ =	sdelay $0x3  }
0xf2: {  	v58 =	vmul.f32 v18, v18  }
0xf3: {  	[tilespmem:v19+s13+$0x0] =	vst.idx.add.f32.msk $0xffff, v18  }
0xf4: {  	[tilespmem:v19+s14+$0x0] =	vst.idx.add.f32.msk $0xffff, v58  }
0xf5: {  	v18 =	vld [tilespmem:s17+$0x4A0]  }
0xf6: {  	v19 =	vor.u32 v11, v17;
	_ =	sdelay $0x3  }
0xf7: {  	v59 =	vmul.f32 v18, v18  }
0xf8: {  	[tilespmem:v19+s13+$0x0] =	vst.idx.add.f32.msk $0xffff, v18  }
0xf9: {  	[tilespmem:v19+s14+$0x0] =	vst.idx.add.f32.msk $0xffff, v59  }
0xfa: {  	v18 =	vld [tilespmem:s17+$0x4B0]  }
0xfb: {  	v19 =	vor.u32 v12, v17;
	_ =	sdelay $0x3  }
0xfc: {  	v60 =	vmul.f32 v18, v18  }
0xfd: {  	[tilespmem:v19+s13+$0x0] =	vst.idx.add.f32.msk $0xffff, v18  }
0xfe: {  	[tilespmem:v19+s14+$0x0] =	vst.idx.add.f32.msk $0xffff, v60  }
0xff: {  	v18 =	vld [tilespmem:s17+$0x4C0]  }
0x100: {  	v19 =	vor.u32 v13, v17;
	_ =	sdelay $0x3  }
0x101: {  	v61 =	vmul.f32 v18, v18  }
0x102: {  	[tilespmem:v19+s13+$0x0] =	vst.idx.add.f32.msk $0xffff, v18  }
0x103: {  	[tilespmem:v19+s14+$0x0] =	vst.idx.add.f32.msk $0xffff, v61  }
0x104: {  	v18 =	vld [tilespmem:s17+$0x4D0]  }
0x105: {  	v19 =	vor.u32 v14, v17;
	_ =	sdelay $0x3  }
0x106: {  	v62 =	vmul.f32 v18, v18  }
0x107: {  	[tilespmem:v19+s13+$0x0] =	vst.idx.add.f32.msk $0xffff, v18  }
0x108: {  	[tilespmem:v19+s14+$0x0] =	vst.idx.add.f32.msk $0xffff, v62  }
0x109: {  	v18 =	vld [tilespmem:s17+$0x4E0]  }
0x10a: {  	v19 =	vor.u32 v15, v17;
	_ =	sdelay $0x3  }
0x10b: {  	v63 =	vmul.f32 v18, v18  }
0x10c: {  	[tilespmem:v19+s13+$0x0] =	vst.idx.add.f32.msk $0xffff, v18  }
0x10d: {  	[tilespmem:v19+s14+$0x0] =	vst.idx.add.f32.msk $0xffff, v63  }
0x10e: {  	v18 =	vld [tilespmem:s17+$0x4F0]  }
0x10f: {  	v17 =	vor.u32 v16, v17;
	_ =	sdelay $0x3  }
0x110: {  	v19 =	vmul.f32 v18, v18  }
0x111: {  	[tilespmem:v17+s13+$0x0] =	vst.idx.add.f32.msk $0xffff, v18  }
0x112: {  	[tilespmem:v17+s14+$0x0] =	vst.idx.add.f32.msk $0xffff, v19  }
0x113: {  	[hbm4b:s7+s2] =	stream.linear.scatter [tilespmem:s13], [sflag:$0x1], $0x1800, $0x38;
	[tilespmem:$0x5C80] =	vst v63  }
0x114: {  	_ =	swait.ge [sflag:s11], $0x1800  }
0x115: {  	[sflag:s11] =	ssyncset.done $0x0  }
0x116: {  	[sflag:s11] =	ssyncadd.s32 $0xFFFFE800  }
0x117: {  	[hbm4b:s8+s2] =	stream.linear.scatter [tilespmem:s14], [sflag:$0x1], $0x1800, $0x38;
	[tilespmem:$0x5C80] =	vst v63  }
0x118: {  	s16 =	sadd.s32 $0x1, s16;
	_ =	swait.ge [sflag:s11], $0x1800  }
0x119: {  	p0 =	sne.s32 s16, s10;
	[sflag:s11] =	ssyncset.done $0x0  }
.Ltmp1:
0x11a: {  	[sflag:s11] =	ssyncadd.s32 $0xFFFFE800;
	(pc) =	sbr.rel @p0 .LBB2_1-.Ltmp1, $4  }
0x11b: {  	[hbm4b:s9+s2] =	stream.linear.scatter [tilespmem:s15], [sflag:$0x1], $0xC00, $0x38;
	[tilespmem:$0x5C80] =	vst v63  }
0x11c: {  	_ =	swait.ge [sflag:s11], $0xC00  }
0x11d: {  	[sflag:s11] =	ssyncset.done $0x0  }
0x11e: {  	[sflag:s11] =	ssyncadd.s32 $0xFFFFF400  }
0x11f: {  	_ =	sfence.sel $0x180000  }
0x120: {  	[bflag:$0x0] =	sbarrier.arrive $0xFFFF  }
0x121: {  	p0 =	sne.s32 s1, $0x0;
	_ =	strace $0x90000047  }
0x122: {  	s0 =	sadd.s32 @!p0 $0x100000, s0;
	[bflag:$0x2] =	sbarrier.arrive $0xFFFF  }
0x123: {  	[sflag:s0] =	ssyncadd.tile.s32 @!p0 $0x1;
	_ =	shalt  }
.Lfunc_end2:
_tile_overlayer_lowered:
.L_overlay_start_2:
0x124: {  	(tag) =	ssettag $0x2  }
0x125: {  	s0 =	rddreg [dreg:$0x0];
	s2 =	stileid.u32  }
0x126: {  	s1 =	rddreg [dreg:$0x1];
	p0 =	sne.s32 s2, $0x0  }
0x127: {  	s3 =	rddreg [dreg:$0x2];
	[bflag:$0x3] =	sbarrier.arrive $0xFFFF;
	s2 =	simm.s32 @!p0 $0x1C01  }
0x128: {  	[timem:s3], [sflag:s2] =	dma.local @!p0 [hbm:s0], s1  }
0x129: {  	s0 =	simm.s32 @!p0 $0x1  }
0x12a: {  	_ =	swait.ge @!p0 [sflag:s0], s1  }
0x12b: {  	s1 =	ssub.s32 @!p0 $0x0, s1;
	[sflag:s0] =	ssyncset.done @!p0 $0x0  }
0x12c: {  	[sflag:s0] =	ssyncadd.s32 @!p0 s1  }
0x12d: {  	[bflag:$0x3] =	sbarrier.arrive $0xFFFF  }
0x12e: {  	_ =	shalt  }

</sc_bundles>
